<compile_context>
chip_gen: v7x
topology: tpu7x:2x2x1
jax: 0.10.2.dev20260603
libtpu: 0.0.44.dev20260713+nightly
codegen_flags: <defaults>
</compile_context>

<pallas_src>
import functools

import jax
import jax.numpy as jnp
from jax import lax
from jax.experimental import pallas as pl
from jax.experimental.pallas import tpu as pltpu
from jax.experimental.pallas import tpu_sc as plsc

NC = 2
NS = 16
NW = NC * NS
CH = 128
HDIM = 64
NE = 16
VB = 32768
SLOT = 1024


def _tc_logits_table(embT, WT, b2):
    V = embT.shape[1]
    grid = (V + VB - 1) // VB

    def mm(x_ref, w_ref, b_ref, o_ref):
        for s in range(VB // 8192):
            for j in range(8):
                lo = s * 8192 + j * SLOT
                zj = lax.dot_general(
                    w_ref[...], x_ref[:, lo:lo + SLOT],
                    (((1,), (0,)), ((), ())),
                    preferred_element_type=jnp.float32,
                )
                zjt = zj.astype(jnp.bfloat16).T.astype(jnp.float32)
                o_ref[s * SLOT:(s + 1) * SLOT, j * NE:(j + 1) * NE] = (
                    zjt + b_ref[...]
                )

    rows_per_blk = SLOT * (VB // 8192)
    return pl.pallas_call(
        mm,
        grid=(grid,),
        in_specs=[
            pl.BlockSpec((HDIM, VB), lambda i: (0, i)),
            pl.BlockSpec((NE, HDIM), lambda i: (0, 0)),
            pl.BlockSpec((1, NE), lambda i: (0, 0)),
        ],
        out_specs=pl.BlockSpec((rows_per_blk, 8 * NE), lambda i: (i, 0)),
        out_shape=jax.ShapeDtypeStruct((grid * rows_per_blk, 8 * NE), jnp.float32),
    )(embT, WT, b2)


def _sc_gather(rows, tbl):
    BT = rows.shape[0]
    bpw = BT // NW
    cpw = bpw // CH
    mesh = plsc.VectorSubcoreMesh(core_axis_name="c", subcore_axis_name="s")

    @functools.partial(
        pl.kernel,
        out_type=jax.ShapeDtypeStruct((BT, NE), jnp.float32),
        mesh=mesh,
        scratch_types=[
            pltpu.VMEM((bpw,), jnp.int32),
            pltpu.VMEM((CH, NE), jnp.float32),
            pltpu.SemaphoreType.DMA,
        ],
        compiler_params=pltpu.CompilerParams(use_tc_tiling_on_sc=False),
    )
    def k(row_hbm, tbl_hbm, out_hbm, idx_v, rows_v, sem):
        wid = lax.axis_index("s") * NC + lax.axis_index("c")
        base = wid * bpw
        pltpu.sync_copy(row_hbm.at[pl.ds(base, bpw)], idx_v)

        def body(c, _):
            pltpu.async_copy(
                tbl_hbm.at[idx_v.at[pl.ds(c * CH, CH)]], rows_v, sem
            ).wait()
            pltpu.sync_copy(rows_v, out_hbm.at[pl.ds(base + c * CH, CH)])
            return 0

        lax.fori_loop(0, cpw, body, 0)

    return k(rows, tbl)


def kernel(property_tokens, emb, W, b):
    B, P = property_tokens.shape
    BT = B * P
    V = emb.shape[0]
    toks = property_tokens.astype(jnp.int32).reshape(BT)
    packed = _tc_logits_table(emb.T, W.T, b.reshape(1, NE))
    rows = ((((toks >> 13) << 10) + (toks & (SLOT - 1))) << 3) + ((toks >> 10) & 7)
    tbl = packed.reshape(packed.shape[0] * 8, NE)
    out = _sc_gather(rows, tbl)
    return out.reshape(B, P, NE)

# --- scband reference (transcript-rebuilt; emitter-appended) ---
"""Pipeline reference for scband-property-router-13615046328739 (READ-ONLY COPY).

The authoritative reference and input builder live on the scoring server;
editing this copy changes nothing except your own understanding.
"""

import jax, jax.numpy as jnp
import numpy as np

VOCAB = 1000000
HDIM = 64
NUM_EXPERTS = 16
B = 4096
NUM_PROPS = 26

def setup_inputs(seed: int = 0) -> dict:
    key = jax.random.key(seed)
    k1, k2, k3 = jax.random.split(key, 3)
    property_tokens = jax.random.randint(k1, (B, NUM_PROPS), 0, VOCAB, dtype=jnp.int64 if jax.config.jax_enable_x64 else jnp.int32)
    # embedding init: normal(mean=0, std=0.1)
    emb = jax.random.normal(k2, (VOCAB, HDIM), dtype=jnp.float32) * 0.1
    # xavier_uniform with gain=0.1 for Linear(hdim, num_experts): bound = gain*sqrt(6/(fan_in+fan_out))
    bound = 0.1 * np.sqrt(6.0 / (HDIM + NUM_EXPERTS))
    W = jax.random.uniform(k3, (HDIM, NUM_EXPERTS), dtype=jnp.float32, minval=-bound, maxval=bound)
    b = jnp.zeros((NUM_EXPERTS,), dtype=jnp.float32)
    return {"property_tokens": property_tokens, "emb": emb, "W": W, "b": b}

def reference(property_tokens, emb, W, b):
    # Embedding lookup
    prop_embeddings = jnp.take(emb, property_tokens, axis=0)  # [B, num_props, hdim]
    # dropout_rate=0.0 -> identity
    expert_logits = jnp.einsum('bph,he->bpe', prop_embeddings, W) + b
    return expert_logits

if __name__ == "__main__":
    import jax
    _d = setup_inputs()
    print(jax.jit(kernel)(*tuple(_d.values())))

</pallas_src>

<mosaic_0001>
#map = affine_map<(d0, d1) -> (0)>
#map1 = affine_map<(d0, d1) -> (0, 0)>
module attributes {stable_mosaic.version = 14 : i64} {
  func.func @k(%arg0: i32, %arg1: i32, %arg2: memref<106496xi32, #tpu.memory_space<hbm>>, %arg3: memref<1015808x16xf32, #tpu.memory_space<hbm>>, %arg4: memref<106496x16xf32, #tpu.memory_space<hbm>>, %arg5: memref<3328xi32, #tpu.memory_space<vmem>>, %arg6: memref<128x16xf32, #tpu.memory_space<vmem>>, %arg7: memref<!tpu.dma_semaphore, #tpu.memory_space<semaphore_mem>>) attributes {dimension_semantics = [#tpu.dimension_semantics<core_parallel>, #tpu.dimension_semantics<subcore_parallel>], iteration_bounds = array<i64: 2, 16>, scalar_prefetch = 0 : i64, scratch_operands = 3 : i64, tpu.core_type = #tpu.core_type<sc_vector_subcore>, window_params = [{transform_indices = #map}, {transform_indices = #map1}, {transform_indices = #map1}]} {
    %mul3A = arith.constant 2 : i32
    %mul3A_0 = arith.muli %arg1, %mul3A : i32
    %add3A = arith.addi %mul3A_0, %arg0 : i32
    %mul3A_1 = arith.constant 3328 : i32
    %mul3A_2 = arith.muli %add3A, %mul3A_1 : i32
    "tpu.region"() ({
      %run_scoped3A = tpu.sem_alloc : memref<!tpu.dma_semaphore, #tpu.memory_space<semaphore_mem>>
      %dma_start3A = tpu.memref_slice %arg2[%mul3A_2] : memref<106496xi32, #tpu.memory_space<hbm>> -> memref<3328xi32, #tpu.memory_space<hbm>>
      %dma_start3A_9 = tpu.memref_slice %arg2[%mul3A_2] : memref<106496xi32, #tpu.memory_space<hbm>> -> memref<3328xi32, #tpu.memory_space<hbm>>
      tpu.enqueue_dma source(%dma_start3A_9 : memref<3328xi32, #tpu.memory_space<hbm>>) target(%arg5 : memref<3328xi32, #tpu.memory_space<vmem>>) target_semaphore(%run_scoped3A : memref<!tpu.dma_semaphore, #tpu.memory_space<semaphore_mem>>)
      %dma_wait3A = tpu.memref_slice %arg2[%mul3A_2] : memref<106496xi32, #tpu.memory_space<hbm>> -> memref<3328xi32, #tpu.memory_space<hbm>>
      %dma_wait3A_10 = tpu.memref_slice %arg2[%mul3A_2] : memref<106496xi32, #tpu.memory_space<hbm>> -> memref<3328xi32, #tpu.memory_space<hbm>>
      tpu.wait_dma2 semaphore(%run_scoped3A : memref<!tpu.dma_semaphore, #tpu.memory_space<semaphore_mem>>) src(%dma_wait3A_10 : memref<3328xi32, #tpu.memory_space<hbm>>) dst(%arg5 : memref<3328xi32, #tpu.memory_space<vmem>>)
      tpu.yield
    }) : () -> ()
    %scan3A = arith.constant 0 : i32
    %scan3A_3 = arith.constant 0 : i32
    %scan3A_4 = arith.constant 26 : i32
    %scan3A_5 = arith.addi %scan3A_3, %scan3A_4 : i32
    %scan3A_6 = arith.constant 1 : i32
    %scan3A_7 = scf.for %scan3A_9 = %scan3A_3 to %scan3A_5 step %scan3A_6 iter_args(%scan3A_10 = %scan3A) -> (i32)  : i32 {
      %mul3A_11 = arith.constant 128 : i32
      %mul3A_12 = arith.muli %scan3A_9, %mul3A_11 : i32
      %dma_start3A = tpu.memref_slice %arg5[%mul3A_12] : memref<3328xi32, #tpu.memory_space<vmem>> -> memref<128xi32, #tpu.memory_space<vmem>>
      %dma_start3A_13 = arith.constant 0 : i32
      %dma_start3A_14 = arith.constant 0 : i32
      %dma_start3A_15 = tpu.memref_slice %arg3[%dma_start3A_13, %dma_start3A_14] : memref<1015808x16xf32, #tpu.memory_space<hbm>> -> memref<1015808x16xf32, #tpu.memory_space<hbm>>
      tpu.enqueue_indirect_dma source(%dma_start3A_15 : memref<1015808x16xf32, #tpu.memory_space<hbm>>) target(%arg6 : memref<128x16xf32, #tpu.memory_space<vmem>>) offsets(%dma_start3A : memref<128xi32, #tpu.memory_space<vmem>>) semaphore(%arg7 : memref<!tpu.dma_semaphore, #tpu.memory_space<semaphore_mem>>)
      %dma_wait3A = tpu.memref_slice %arg5[%mul3A_12] : memref<3328xi32, #tpu.memory_space<vmem>> -> memref<128xi32, #tpu.memory_space<vmem>>
      %dma_wait3A_16 = arith.constant 0 : i32
      %dma_wait3A_17 = arith.constant 0 : i32
      %dma_wait3A_18 = tpu.memref_slice %arg3[%dma_wait3A_16, %dma_wait3A_17] : memref<1015808x16xf32, #tpu.memory_space<hbm>> -> memref<1015808x16xf32, #tpu.memory_space<hbm>>
      tpu.wait_indirect_dma semaphore(%arg7 : memref<!tpu.dma_semaphore, #tpu.memory_space<semaphore_mem>>) src(%dma_wait3A_18 : memref<1015808x16xf32, #tpu.memory_space<hbm>>) dst(%arg6 : memref<128x16xf32, #tpu.memory_space<vmem>>)
      %mul3A_19 = arith.constant 128 : i32
      %mul3A_20 = arith.muli %scan3A_9, %mul3A_19 : i32
      %add3A_21 = arith.addi %mul3A_2, %mul3A_20 : i32
      "tpu.region"() ({
        %run_scoped3A = tpu.sem_alloc : memref<!tpu.dma_semaphore, #tpu.memory_space<semaphore_mem>>
        %dma_start3A_23 = arith.constant 0 : i32
        %dma_start3A_24 = tpu.memref_slice %arg4[%add3A_21, %dma_start3A_23] : memref<106496x16xf32, #tpu.memory_space<hbm>> -> memref<128x16xf32, #tpu.memory_space<hbm>>
        %dma_start3A_25 = arith.constant 0 : i32
        %dma_start3A_26 = tpu.memref_slice %arg4[%add3A_21, %dma_start3A_25] : memref<106496x16xf32, #tpu.memory_space<hbm>> -> memref<128x16xf32, #tpu.memory_space<hbm>>
        tpu.enqueue_dma source(%arg6 : memref<128x16xf32, #tpu.memory_space<vmem>>) target(%dma_start3A_26 : memref<128x16xf32, #tpu.memory_space<hbm>>) target_semaphore(%run_scoped3A : memref<!tpu.dma_semaphore, #tpu.memory_space<semaphore_mem>>)
        %dma_wait3A_27 = arith.constant 0 : i32
        %dma_wait3A_28 = tpu.memref_slice %arg4[%add3A_21, %dma_wait3A_27] : memref<106496x16xf32, #tpu.memory_space<hbm>> -> memref<128x16xf32, #tpu.memory_space<hbm>>
        %dma_wait3A_29 = arith.constant 0 : i32
        %dma_wait3A_30 = tpu.memref_slice %arg4[%add3A_21, %dma_wait3A_29] : memref<106496x16xf32, #tpu.memory_space<hbm>> -> memref<128x16xf32, #tpu.memory_space<hbm>>
        tpu.wait_dma2 semaphore(%run_scoped3A : memref<!tpu.dma_semaphore, #tpu.memory_space<semaphore_mem>>) src(%arg6 : memref<128x16xf32, #tpu.memory_space<vmem>>) dst(%dma_wait3A_30 : memref<128x16xf32, #tpu.memory_space<hbm>>)
        tpu.yield
      }) : () -> ()
      %scan3A_22 = arith.constant 0 : i32
      scf.yield %scan3A_22 : i32
    }
    %scan3A_8 = arith.constant 26 : i32
    return
  }
}

module attributes {stable_mosaic.version = 14 : i64} {
  func.func @mm(%arg0: i32, %arg1: memref<64x32768xf32, #tpu.memory_space<vmem>>, %arg2: memref<16x64xf32, #tpu.memory_space<vmem>>, %arg3: memref<1x16xf32, #tpu.memory_space<vmem>>, %arg4: memref<4096x128xf32, #tpu.memory_space<vmem>>) attributes {dimension_semantics = [#tpu.dimension_semantics<arbitrary>], iteration_bounds = array<i64: 31>, scalar_prefetch = 0 : i64, scratch_operands = 0 : i64, tpu.core_type = #tpu.core_type<tc>, window_params = [{transform_indices = @transform_0, window_bounds = array<i64: 64, 32768>}, {pipeline_mode = #tpu.pipeline_mode<synchronous>, transform_indices = @transform_1, window_bounds = array<i64: 16, 64>}, {pipeline_mode = #tpu.pipeline_mode<synchronous>, transform_indices = @transform_2, window_bounds = array<i64: 1, 16>}, {transform_indices = @transform_3, window_bounds = array<i64: 4096, 128>}]} {
    %get3A = arith.constant 0 : index
    %get3A_0 = arith.constant 0 : index
    %get3A_1 = vector.load %arg2[%get3A, %get3A_0] : memref<16x64xf32, #tpu.memory_space<vmem>>, vector<16x64xf32>
    %get3A_2 = arith.constant 0 : index
    %get3A_3 = arith.constant 0 : index
    %get3A_4 = vector.load %arg1[%get3A_2, %get3A_3] : memref<64x32768xf32, #tpu.memory_space<vmem>>, vector<64x1024xf32>
    %dot_general3A = arith.constant dense<0.000000e+00> : vector<16x1024xf32>
    %dot_general3A_5 = tpu.matmul %get3A_1, %get3A_4, %dot_general3A {dimension_numbers = #tpu.dot_dimension_numbers<[1], [0], [0], [1], [0, 0, 1, 1], [], []>, transpose_lhs_hint = false} : vector<16x64xf32>, vector<64x1024xf32>, vector<16x1024xf32> -> vector<16x1024xf32>
    %convert_element_type3A = arith.truncf %dot_general3A_5 : vector<16x1024xf32> to vector<16x1024xbf16>
    %transpose3A = tpu.transpose %convert_element_type3A, [1, 0] : vector<16x1024xbf16> -> vector<1024x16xbf16>
    %convert_element_type3A_6 = arith.extf %transpose3A : vector<1024x16xbf16> to vector<1024x16xf32>
    %get3A_7 = arith.constant 0 : index
    %get3A_8 = arith.constant 0 : index
    %get3A_9 = vector.load %arg3[%get3A_7, %get3A_8] : memref<1x16xf32, #tpu.memory_space<vmem>>, vector<1x16xf32>
    %add3A = vector.broadcast %get3A_9 : vector<1x16xf32> to vector<1024x16xf32>
    %add3A_10 = arith.addf %convert_element_type3A_6, %add3A : vector<1024x16xf32>
    %swap3A = arith.constant 0 : index
    %swap3A_11 = arith.constant 0 : index
    %swap3A_12 = vector.load %arg4[%swap3A, %swap3A_11] : memref<4096x128xf32, #tpu.memory_space<vmem>>, vector<1024x16xf32>
    tpu.vector_store %arg4[%swap3A, %swap3A_11], %add3A_10 {strides = array<i32>} : memref<4096x128xf32, #tpu.memory_space<vmem>>, vector<1024x16xf32>,
    %get3A_13 = arith.constant 0 : index
    %get3A_14 = arith.constant 0 : index
    %get3A_15 = vector.load %arg2[%get3A_13, %get3A_14] : memref<16x64xf32, #tpu.memory_space<vmem>>, vector<16x64xf32>
    %get3A_16 = arith.constant 0 : index
    %get3A_17 = arith.constant 1024 : index
    %get3A_18 = vector.load %arg1[%get3A_16, %get3A_17] : memref<64x32768xf32, #tpu.memory_space<vmem>>, vector<64x1024xf32>
    %dot_general3A_19 = arith.constant dense<0.000000e+00> : vector<16x1024xf32>
    %dot_general3A_20 = tpu.matmul %get3A_15, %get3A_18, %dot_general3A_19 {dimension_numbers = #tpu.dot_dimension_numbers<[1], [0], [0], [1], [0, 0, 1, 1], [], []>, transpose_lhs_hint = false} : vector<16x64xf32>, vector<64x1024xf32>, vector<16x1024xf32> -> vector<16x1024xf32>
    %convert_element_type3A_21 = arith.truncf %dot_general3A_20 : vector<16x1024xf32> to vector<16x1024xbf16>
    %transpose3A_22 = tpu.transpose %convert_element_type3A_21, [1, 0] : vector<16x1024xbf16> -> vector<1024x16xbf16>
    %convert_element_type3A_23 = arith.extf %transpose3A_22 : vector<1024x16xbf16> to vector<1024x16xf32>
    %get3A_24 = arith.constant 0 : index
    %get3A_25 = arith.constant 0 : index
    %get3A_26 = vector.load %arg3[%get3A_24, %get3A_25] : memref<1x16xf32, #tpu.memory_space<vmem>>, vector<1x16xf32>
    %add3A_27 = vector.broadcast %get3A_26 : vector<1x16xf32> to vector<1024x16xf32>
    %add3A_28 = arith.addf %convert_element_type3A_23, %add3A_27 : vector<1024x16xf32>
    %swap3A_29 = arith.constant 0 : index
    %swap3A_30 = arith.constant 16 : index
    %swap3A_31 = vector.load %arg4[%swap3A_29, %swap3A_30] : memref<4096x128xf32, #tpu.memory_space<vmem>>, vector<1024x16xf32>
    tpu.vector_store %arg4[%swap3A_29, %swap3A_30], %add3A_28 {strides = array<i32>} : memref<4096x128xf32, #tpu.memory_space<vmem>>, vector<1024x16xf32>,
    %get3A_32 = arith.constant 0 : index
    %get3A_33 = arith.constant 0 : index
    %get3A_34 = vector.load %arg2[%get3A_32, %get3A_33] : memref<16x64xf32, #tpu.memory_space<vmem>>, vector<16x64xf32>
    %get3A_35 = arith.constant 0 : index
    %get3A_36 = arith.constant 2048 : index
    %get3A_37 = vector.load %arg1[%get3A_35, %get3A_36] : memref<64x32768xf32, #tpu.memory_space<vmem>>, vector<64x1024xf32>
    %dot_general3A_38 = arith.constant dense<0.000000e+00> : vector<16x1024xf32>
    %dot_general3A_39 = tpu.matmul %get3A_34, %get3A_37, %dot_general3A_38 {dimension_numbers = #tpu.dot_dimension_numbers<[1], [0], [0], [1], [0, 0, 1, 1], [], []>, transpose_lhs_hint = false} : vector<16x64xf32>, vector<64x1024xf32>, vector<16x1024xf32> -> vector<16x1024xf32>
    %convert_element_type3A_40 = arith.truncf %dot_general3A_39 : vector<16x1024xf32> to vector<16x1024xbf16>
    %transpose3A_41 = tpu.transpose %convert_element_type3A_40, [1, 0] : vector<16x1024xbf16> -> vector<1024x16xbf16>
    %convert_element_type3A_42 = arith.extf %transpose3A_41 : vector<1024x16xbf16> to vector<1024x16xf32>
    %get3A_43 = arith.constant 0 : index
    %get3A_44 = arith.constant 0 : index
    %get3A_45 = vector.load %arg3[%get3A_43, %get3A_44] : memref<1x16xf32, #tpu.memory_space<vmem>>, vector<1x16xf32>
    %add3A_46 = vector.broadcast %get3A_45 : vector<1x16xf32> to vector<1024x16xf32>
    %add3A_47 = arith.addf %convert_element_type3A_42, %add3A_46 : vector<1024x16xf32>
    %swap3A_48 = arith.constant 0 : index
    %swap3A_49 = arith.constant 32 : index
    %swap3A_50 = vector.load %arg4[%swap3A_48, %swap3A_49] : memref<4096x128xf32, #tpu.memory_space<vmem>>, vector<1024x16xf32>
    tpu.vector_store %arg4[%swap3A_48, %swap3A_49], %add3A_47 {strides = array<i32>} : memref<4096x128xf32, #tpu.memory_space<vmem>>, vector<1024x16xf32>,
    %get3A_51 = arith.constant 0 : index
    %get3A_52 = arith.constant 0 : index
    %get3A_53 = vector.load %arg2[%get3A_51, %get3A_52] : memref<16x64xf32, #tpu.memory_space<vmem>>, vector<16x64xf32>
    %get3A_54 = arith.constant 0 : index
    %get3A_55 = arith.constant 3072 : index
    %get3A_56 = vector.load %arg1[%get3A_54, %get3A_55] : memref<64x32768xf32, #tpu.memory_space<vmem>>, vector<64x1024xf32>
    %dot_general3A_57 = arith.constant dense<0.000000e+00> : vector<16x1024xf32>
    %dot_general3A_58 = tpu.matmul %get3A_53, %get3A_56, %dot_general3A_57 {dimension_numbers = #tpu.dot_dimension_numbers<[1], [0], [0], [1], [0, 0, 1, 1], [], []>, transpose_lhs_hint = false} : vector<16x64xf32>, vector<64x1024xf32>, vector<16x1024xf32> -> vector<16x1024xf32>
    %convert_element_type3A_59 = arith.truncf %dot_general3A_58 : vector<16x1024xf32> to vector<16x1024xbf16>
    %transpose3A_60 = tpu.transpose %convert_element_type3A_59, [1, 0] : vector<16x1024xbf16> -> vector<1024x16xbf16>
    %convert_element_type3A_61 = arith.extf %transpose3A_60 : vector<1024x16xbf16> to vector<1024x16xf32>
    %get3A_62 = arith.constant 0 : index
    %get3A_63 = arith.constant 0 : index
    %get3A_64 = vector.load %arg3[%get3A_62, %get3A_63] : memref<1x16xf32, #tpu.memory_space<vmem>>, vector<1x16xf32>
    %add3A_65 = vector.broadcast %get3A_64 : vector<1x16xf32> to vector<1024x16xf32>
    %add3A_66 = arith.addf %convert_element_type3A_61, %add3A_65 : vector<1024x16xf32>
    %swap3A_67 = arith.constant 0 : index
    %swap3A_68 = arith.constant 48 : index
    %swap3A_69 = vector.load %arg4[%swap3A_67, %swap3A_68] : memref<4096x128xf32, #tpu.memory_space<vmem>>, vector<1024x16xf32>
    tpu.vector_store %arg4[%swap3A_67, %swap3A_68], %add3A_66 {strides = array<i32>} : memref<4096x128xf32, #tpu.memory_space<vmem>>, vector<1024x16xf32>,
    %get3A_70 = arith.constant 0 : index
    %get3A_71 = arith.constant 0 : index
    %get3A_72 = vector.load %arg2[%get3A_70, %get3A_71] : memref<16x64xf32, #tpu.memory_space<vmem>>, vector<16x64xf32>
    %get3A_73 = arith.constant 0 : index
    %get3A_74 = arith.constant 4096 : index
    %get3A_75 = vector.load %arg1[%get3A_73, %get3A_74] : memref<64x32768xf32, #tpu.memory_space<vmem>>, vector<64x1024xf32>
    %dot_general3A_76 = arith.constant dense<0.000000e+00> : vector<16x1024xf32>
    %dot_general3A_77 = tpu.matmul %get3A_72, %get3A_75, %dot_general3A_76 {dimension_numbers = #tpu.dot_dimension_numbers<[1], [0], [0], [1], [0, 0, 1, 1], [], []>, transpose_lhs_hint = false} : vector<16x64xf32>, vector<64x1024xf32>, vector<16x1024xf32> -> vector<16x1024xf32>
    %convert_element_type3A_78 = arith.truncf %dot_general3A_77 : vector<16x1024xf32> to vector<16x1024xbf16>
    %transpose3A_79 = tpu.transpose %convert_element_type3A_78, [1, 0] : vector<16x1024xbf16> -> vector<1024x16xbf16>
    %convert_element_type3A_80 = arith.extf %transpose3A_79 : vector<1024x16xbf16> to vector<1024x16xf32>
    %get3A_81 = arith.constant 0 : index
    %get3A_82 = arith.constant 0 : index
    %get3A_83 = vector.load %arg3[%get3A_81, %get3A_82] : memref<1x16xf32, #tpu.memory_space<vmem>>, vector<1x16xf32>
    %add3A_84 = vector.broadcast %get3A_83 : vector<1x16xf32> to vector<1024x16xf32>
    %add3A_85 = arith.addf %convert_element_type3A_80, %add3A_84 : vector<1024x16xf32>
    %swap3A_86 = arith.constant 0 : index
    %swap3A_87 = arith.constant 64 : index
    %swap3A_88 = vector.load %arg4[%swap3A_86, %swap3A_87] : memref<4096x128xf32, #tpu.memory_space<vmem>>, vector<1024x16xf32>
    tpu.vector_store %arg4[%swap3A_86, %swap3A_87], %add3A_85 {strides = array<i32>} : memref<4096x128xf32, #tpu.memory_space<vmem>>, vector<1024x16xf32>,
    %get3A_89 = arith.constant 0 : index
    %get3A_90 = arith.constant 0 : index
    %get3A_91 = vector.load %arg2[%get3A_89, %get3A_90] : memref<16x64xf32, #tpu.memory_space<vmem>>, vector<16x64xf32>
    %get3A_92 = arith.constant 0 : index
    %get3A_93 = arith.constant 5120 : index
    %get3A_94 = vector.load %arg1[%get3A_92, %get3A_93] : memref<64x32768xf32, #tpu.memory_space<vmem>>, vector<64x1024xf32>
    %dot_general3A_95 = arith.constant dense<0.000000e+00> : vector<16x1024xf32>
    %dot_general3A_96 = tpu.matmul %get3A_91, %get3A_94, %dot_general3A_95 {dimension_numbers = #tpu.dot_dimension_numbers<[1], [0], [0], [1], [0, 0, 1, 1], [], []>, transpose_lhs_hint = false} : vector<16x64xf32>, vector<64x1024xf32>, vector<16x1024xf32> -> vector<16x1024xf32>
    %convert_element_type3A_97 = arith.truncf %dot_general3A_96 : vector<16x1024xf32> to vector<16x1024xbf16>
    %transpose3A_98 = tpu.transpose %convert_element_type3A_97, [1, 0] : vector<16x1024xbf16> -> vector<1024x16xbf16>
    %convert_element_type3A_99 = arith.extf %transpose3A_98 : vector<1024x16xbf16> to vector<1024x16xf32>
    %get3A_100 = arith.constant 0 : index
    %get3A_101 = arith.constant 0 : index
    %get3A_102 = vector.load %arg3[%get3A_100, %get3A_101] : memref<1x16xf32, #tpu.memory_space<vmem>>, vector<1x16xf32>
    %add3A_103 = vector.broadcast %get3A_102 : vector<1x16xf32> to vector<1024x16xf32>
    %add3A_104 = arith.addf %convert_element_type3A_99, %add3A_103 : vector<1024x16xf32>
    %swap3A_105 = arith.constant 0 : index
    %swap3A_106 = arith.constant 80 : index
    %swap3A_107 = vector.load %arg4[%swap3A_105, %swap3A_106] : memref<4096x128xf32, #tpu.memory_space<vmem>>, vector<1024x16xf32>
    tpu.vector_store %arg4[%swap3A_105, %swap3A_106], %add3A_104 {strides = array<i32>} : memref<4096x128xf32, #tpu.memory_space<vmem>>, vector<1024x16xf32>,
    %get3A_108 = arith.constant 0 : index
    %get3A_109 = arith.constant 0 : index
    %get3A_110 = vector.load %arg2[%get3A_108, %get3A_109] : memref<16x64xf32, #tpu.memory_space<vmem>>, vector<16x64xf32>
    %get3A_111 = arith.constant 0 : index
    %get3A_112 = arith.constant 6144 : index
    %get3A_113 = vector.load %arg1[%get3A_111, %get3A_112] : memref<64x32768xf32, #tpu.memory_space<vmem>>, vector<64x1024xf32>
    %dot_general3A_114 = arith.constant dense<0.000000e+00> : vector<16x1024xf32>
    %dot_general3A_115 = tpu.matmul %get3A_110, %get3A_113, %dot_general3A_114 {dimension_numbers = #tpu.dot_dimension_numbers<[1], [0], [0], [1], [0, 0, 1, 1], [], []>, transpose_lhs_hint = false} : vector<16x64xf32>, vector<64x1024xf32>, vector<16x1024xf32> -> vector<16x1024xf32>
    %convert_element_type3A_116 = arith.truncf %dot_general3A_115 : vector<16x1024xf32> to vector<16x1024xbf16>
    %transpose3A_117 = tpu.transpose %convert_element_type3A_116, [1, 0] : vector<16x1024xbf16> -> vector<1024x16xbf16>
    %convert_element_type3A_118 = arith.extf %transpose3A_117 : vector<1024x16xbf16> to vector<1024x16xf32>
    %get3A_119 = arith.constant 0 : index
    %get3A_120 = arith.constant 0 : index
    %get3A_121 = vector.load %arg3[%get3A_119, %get3A_120] : memref<1x16xf32, #tpu.memory_space<vmem>>, vector<1x16xf32>
    %add3A_122 = vector.broadcast %get3A_121 : vector<1x16xf32> to vector<1024x16xf32>
    %add3A_123 = arith.addf %convert_element_type3A_118, %add3A_122 : vector<1024x16xf32>
    %swap3A_124 = arith.constant 0 : index
    %swap3A_125 = arith.constant 96 : index
    %swap3A_126 = vector.load %arg4[%swap3A_124, %swap3A_125] : memref<4096x128xf32, #tpu.memory_space<vmem>>, vector<1024x16xf32>
    tpu.vector_store %arg4[%swap3A_124, %swap3A_125], %add3A_123 {strides = array<i32>} : memref<4096x128xf32, #tpu.memory_space<vmem>>, vector<1024x16xf32>,
    %get3A_127 = arith.constant 0 : index
    %get3A_128 = arith.constant 0 : index
    %get3A_129 = vector.load %arg2[%get3A_127, %get3A_128] : memref<16x64xf32, #tpu.memory_space<vmem>>, vector<16x64xf32>
    %get3A_130 = arith.constant 0 : index
    %get3A_131 = arith.constant 7168 : index
    %get3A_132 = vector.load %arg1[%get3A_130, %get3A_131] : memref<64x32768xf32, #tpu.memory_space<vmem>>, vector<64x1024xf32>
    %dot_general3A_133 = arith.constant dense<0.000000e+00> : vector<16x1024xf32>
    %dot_general3A_134 = tpu.matmul %get3A_129, %get3A_132, %dot_general3A_133 {dimension_numbers = #tpu.dot_dimension_numbers<[1], [0], [0], [1], [0, 0, 1, 1], [], []>, transpose_lhs_hint = false} : vector<16x64xf32>, vector<64x1024xf32>, vector<16x1024xf32> -> vector<16x1024xf32>
    %convert_element_type3A_135 = arith.truncf %dot_general3A_134 : vector<16x1024xf32> to vector<16x1024xbf16>
    %transpose3A_136 = tpu.transpose %convert_element_type3A_135, [1, 0] : vector<16x1024xbf16> -> vector<1024x16xbf16>
    %convert_element_type3A_137 = arith.extf %transpose3A_136 : vector<1024x16xbf16> to vector<1024x16xf32>
    %get3A_138 = arith.constant 0 : index
    %get3A_139 = arith.constant 0 : index
    %get3A_140 = vector.load %arg3[%get3A_138, %get3A_139] : memref<1x16xf32, #tpu.memory_space<vmem>>, vector<1x16xf32>
    %add3A_141 = vector.broadcast %get3A_140 : vector<1x16xf32> to vector<1024x16xf32>
    %add3A_142 = arith.addf %convert_element_type3A_137, %add3A_141 : vector<1024x16xf32>
    %swap3A_143 = arith.constant 0 : index
    %swap3A_144 = arith.constant 112 : index
    %swap3A_145 = vector.load %arg4[%swap3A_143, %swap3A_144] : memref<4096x128xf32, #tpu.memory_space<vmem>>, vector<1024x16xf32>
    tpu.vector_store %arg4[%swap3A_143, %swap3A_144], %add3A_142 {strides = array<i32>} : memref<4096x128xf32, #tpu.memory_space<vmem>>, vector<1024x16xf32>,
    %get3A_146 = arith.constant 0 : index
    %get3A_147 = arith.constant 0 : index
    %get3A_148 = vector.load %arg2[%get3A_146, %get3A_147] : memref<16x64xf32, #tpu.memory_space<vmem>>, vector<16x64xf32>
    %get3A_149 = arith.constant 0 : index
    %get3A_150 = arith.constant 8192 : index
    %get3A_151 = vector.load %arg1[%get3A_149, %get3A_150] : memref<64x32768xf32, #tpu.memory_space<vmem>>, vector<64x1024xf32>
    %dot_general3A_152 = arith.constant dense<0.000000e+00> : vector<16x1024xf32>
    %dot_general3A_153 = tpu.matmul %get3A_148, %get3A_151, %dot_general3A_152 {dimension_numbers = #tpu.dot_dimension_numbers<[1], [0], [0], [1], [0, 0, 1, 1], [], []>, transpose_lhs_hint = false} : vector<16x64xf32>, vector<64x1024xf32>, vector<16x1024xf32> -> vector<16x1024xf32>
    %convert_element_type3A_154 = arith.truncf %dot_general3A_153 : vector<16x1024xf32> to vector<16x1024xbf16>
    %transpose3A_155 = tpu.transpose %convert_element_type3A_154, [1, 0] : vector<16x1024xbf16> -> vector<1024x16xbf16>
    %convert_element_type3A_156 = arith.extf %transpose3A_155 : vector<1024x16xbf16> to vector<1024x16xf32>
    %get3A_157 = arith.constant 0 : index
    %get3A_158 = arith.constant 0 : index
    %get3A_159 = vector.load %arg3[%get3A_157, %get3A_158] : memref<1x16xf32, #tpu.memory_space<vmem>>, vector<1x16xf32>
    %add3A_160 = vector.broadcast %get3A_159 : vector<1x16xf32> to vector<1024x16xf32>
    %add3A_161 = arith.addf %convert_element_type3A_156, %add3A_160 : vector<1024x16xf32>
    %swap3A_162 = arith.constant 1024 : index
    %swap3A_163 = arith.constant 0 : index
    %swap3A_164 = vector.load %arg4[%swap3A_162, %swap3A_163] : memref<4096x128xf32, #tpu.memory_space<vmem>>, vector<1024x16xf32>
    tpu.vector_store %arg4[%swap3A_162, %swap3A_163], %add3A_161 {strides = array<i32>} : memref<4096x128xf32, #tpu.memory_space<vmem>>, vector<1024x16xf32>,
    %get3A_165 = arith.constant 0 : index
    %get3A_166 = arith.constant 0 : index
    %get3A_167 = vector.load %arg2[%get3A_165, %get3A_166] : memref<16x64xf32, #tpu.memory_space<vmem>>, vector<16x64xf32>
    %get3A_168 = arith.constant 0 : index
    %get3A_169 = arith.constant 9216 : index
    %get3A_170 = vector.load %arg1[%get3A_168, %get3A_169] : memref<64x32768xf32, #tpu.memory_space<vmem>>, vector<64x1024xf32>
    %dot_general3A_171 = arith.constant dense<0.000000e+00> : vector<16x1024xf32>
    %dot_general3A_172 = tpu.matmul %get3A_167, %get3A_170, %dot_general3A_171 {dimension_numbers = #tpu.dot_dimension_numbers<[1], [0], [0], [1], [0, 0, 1, 1], [], []>, transpose_lhs_hint = false} : vector<16x64xf32>, vector<64x1024xf32>, vector<16x1024xf32> -> vector<16x1024xf32>
    %convert_element_type3A_173 = arith.truncf %dot_general3A_172 : vector<16x1024xf32> to vector<16x1024xbf16>
    %transpose3A_174 = tpu.transpose %convert_element_type3A_173, [1, 0] : vector<16x1024xbf16> -> vector<1024x16xbf16>
    %convert_element_type3A_175 = arith.extf %transpose3A_174 : vector<1024x16xbf16> to vector<1024x16xf32>
    %get3A_176 = arith.constant 0 : index
    %get3A_177 = arith.constant 0 : index
    %get3A_178 = vector.load %arg3[%get3A_176, %get3A_177] : memref<1x16xf32, #tpu.memory_space<vmem>>, vector<1x16xf32>
    %add3A_179 = vector.broadcast %get3A_178 : vector<1x16xf32> to vector<1024x16xf32>
    %add3A_180 = arith.addf %convert_element_type3A_175, %add3A_179 : vector<1024x16xf32>
    %swap3A_181 = arith.constant 1024 : index
    %swap3A_182 = arith.constant 16 : index
    %swap3A_183 = vector.load %arg4[%swap3A_181, %swap3A_182] : memref<4096x128xf32, #tpu.memory_space<vmem>>, vector<1024x16xf32>
    tpu.vector_store %arg4[%swap3A_181, %swap3A_182], %add3A_180 {strides = array<i32>} : memref<4096x128xf32, #tpu.memory_space<vmem>>, vector<1024x16xf32>,
    %get3A_184 = arith.constant 0 : index
    %get3A_185 = arith.constant 0 : index
    %get3A_186 = vector.load %arg2[%get3A_184, %get3A_185] : memref<16x64xf32, #tpu.memory_space<vmem>>, vector<16x64xf32>
    %get3A_187 = arith.constant 0 : index
    %get3A_188 = arith.constant 10240 : index
    %get3A_189 = vector.load %arg1[%get3A_187, %get3A_188] : memref<64x32768xf32, #tpu.memory_space<vmem>>, vector<64x1024xf32>
    %dot_general3A_190 = arith.constant dense<0.000000e+00> : vector<16x1024xf32>
    %dot_general3A_191 = tpu.matmul %get3A_186, %get3A_189, %dot_general3A_190 {dimension_numbers = #tpu.dot_dimension_numbers<[1], [0], [0], [1], [0, 0, 1, 1], [], []>, transpose_lhs_hint = false} : vector<16x64xf32>, vector<64x1024xf32>, vector<16x1024xf32> -> vector<16x1024xf32>
    %convert_element_type3A_192 = arith.truncf %dot_general3A_191 : vector<16x1024xf32> to vector<16x1024xbf16>
    %transpose3A_193 = tpu.transpose %convert_element_type3A_192, [1, 0] : vector<16x1024xbf16> -> vector<1024x16xbf16>
    %convert_element_type3A_194 = arith.extf %transpose3A_193 : vector<1024x16xbf16> to vector<1024x16xf32>
    %get3A_195 = arith.constant 0 : index
    %get3A_196 = arith.constant 0 : index
    %get3A_197 = vector.load %arg3[%get3A_195, %get3A_196] : memref<1x16xf32, #tpu.memory_space<vmem>>, vector<1x16xf32>
    %add3A_198 = vector.broadcast %get3A_197 : vector<1x16xf32> to vector<1024x16xf32>
    %add3A_199 = arith.addf %convert_element_type3A_194, %add3A_198 : vector<1024x16xf32>
    %swap3A_200 = arith.constant 1024 : index
    %swap3A_201 = arith.constant 32 : index
    %swap3A_202 = vector.load %arg4[%swap3A_200, %swap3A_201] : memref<4096x128xf32, #tpu.memory_space<vmem>>, vector<1024x16xf32>
    tpu.vector_store %arg4[%swap3A_200, %swap3A_201], %add3A_199 {strides = array<i32>} : memref<4096x128xf32, #tpu.memory_space<vmem>>, vector<1024x16xf32>,
    %get3A_203 = arith.constant 0 : index
    %get3A_204 = arith.constant 0 : index
    %get3A_205 = vector.load %arg2[%get3A_203, %get3A_204] : memref<16x64xf32, #tpu.memory_space<vmem>>, vector<16x64xf32>
    %get3A_206 = arith.constant 0 : index
    %get3A_207 = arith.constant 11264 : index
    %get3A_208 = vector.load %arg1[%get3A_206, %get3A_207] : memref<64x32768xf32, #tpu.memory_space<vmem>>, vector<64x1024xf32>
    %dot_general3A_209 = arith.constant dense<0.000000e+00> : vector<16x1024xf32>
    %dot_general3A_210 = tpu.matmul %get3A_205, %get3A_208, %dot_general3A_209 {dimension_numbers = #tpu.dot_dimension_numbers<[1], [0], [0], [1], [0, 0, 1, 1], [], []>, transpose_lhs_hint = false} : vector<16x64xf32>, vector<64x1024xf32>, vector<16x1024xf32> -> vector<16x1024xf32>
    %convert_element_type3A_211 = arith.truncf %dot_general3A_210 : vector<16x1024xf32> to vector<16x1024xbf16>
    %transpose3A_212 = tpu.transpose %convert_element_type3A_211, [1, 0] : vector<16x1024xbf16> -> vector<1024x16xbf16>
    %convert_element_type3A_213 = arith.extf %transpose3A_212 : vector<1024x16xbf16> to vector<1024x16xf32>
    %get3A_214 = arith.constant 0 : index
    %get3A_215 = arith.constant 0 : index
    %get3A_216 = vector.load %arg3[%get3A_214, %get3A_215] : memref<1x16xf32, #tpu.memory_space<vmem>>, vector<1x16xf32>
    %add3A_217 = vector.broadcast %get3A_216 : vector<1x16xf32> to vector<1024x16xf32>
    %add3A_218 = arith.addf %convert_element_type3A_213, %add3A_217 : vector<1024x16xf32>
    %swap3A_219 = arith.constant 1024 : index
    %swap3A_220 = arith.constant 48 : index
    %swap3A_221 = vector.load %arg4[%swap3A_219, %swap3A_220] : memref<4096x128xf32, #tpu.memory_space<vmem>>, vector<1024x16xf32>
    tpu.vector_store %arg4[%swap3A_219, %swap3A_220], %add3A_218 {strides = array<i32>} : memref<4096x128xf32, #tpu.memory_space<vmem>>, vector<1024x16xf32>,
    %get3A_222 = arith.constant 0 : index
    %get3A_223 = arith.constant 0 : index
    %get3A_224 = vector.load %arg2[%get3A_222, %get3A_223] : memref<16x64xf32, #tpu.memory_space<vmem>>, vector<16x64xf32>
    %get3A_225 = arith.constant 0 : index
    %get3A_226 = arith.constant 12288 : index
    %get3A_227 = vector.load %arg1[%get3A_225, %get3A_226] : memref<64x32768xf32, #tpu.memory_space<vmem>>, vector<64x1024xf32>
    %dot_general3A_228 = arith.constant dense<0.000000e+00> : vector<16x1024xf32>
    %dot_general3A_229 = tpu.matmul %get3A_224, %get3A_227, %dot_general3A_228 {dimension_numbers = #tpu.dot_dimension_numbers<[1], [0], [0], [1], [0, 0, 1, 1], [], []>, transpose_lhs_hint = false} : vector<16x64xf32>, vector<64x1024xf32>, vector<16x1024xf32> -> vector<16x1024xf32>
    %convert_element_type3A_230 = arith.truncf %dot_general3A_229 : vector<16x1024xf32> to vector<16x1024xbf16>
    %transpose3A_231 = tpu.transpose %convert_element_type3A_230, [1, 0] : vector<16x1024xbf16> -> vector<1024x16xbf16>
    %convert_element_type3A_232 = arith.extf %transpose3A_231 : vector<1024x16xbf16> to vector<1024x16xf32>
    %get3A_233 = arith.constant 0 : index
    %get3A_234 = arith.constant 0 : index
    %get3A_235 = vector.load %arg3[%get3A_233, %get3A_234] : memref<1x16xf32, #tpu.memory_space<vmem>>, vector<1x16xf32>
    %add3A_236 = vector.broadcast %get3A_235 : vector<1x16xf32> to vector<1024x16xf32>
    %add3A_237 = arith.addf %convert_element_type3A_232, %add3A_236 : vector<1024x16xf32>
    %swap3A_238 = arith.constant 1024 : index
    %swap3A_239 = arith.constant 64 : index
    %swap3A_240 = vector.load %arg4[%swap3A_238, %swap3A_239] : memref<4096x128xf32, #tpu.memory_space<vmem>>, vector<1024x16xf32>
    tpu.vector_store %arg4[%swap3A_238, %swap3A_239], %add3A_237 {strides = array<i32>} : memref<4096x128xf32, #tpu.memory_space<vmem>>, vector<1024x16xf32>,
    %get3A_241 = arith.constant 0 : index
    %get3A_242 = arith.constant 0 : index
    %get3A_243 = vector.load %arg2[%get3A_241, %get3A_242] : memref<16x64xf32, #tpu.memory_space<vmem>>, vector<16x64xf32>
    %get3A_244 = arith.constant 0 : index
    %get3A_245 = arith.constant 13312 : index
    %get3A_246 = vector.load %arg1[%get3A_244, %get3A_245] : memref<64x32768xf32, #tpu.memory_space<vmem>>, vector<64x1024xf32>
    %dot_general3A_247 = arith.constant dense<0.000000e+00> : vector<16x1024xf32>
    %dot_general3A_248 = tpu.matmul %get3A_243, %get3A_246, %dot_general3A_247 {dimension_numbers = #tpu.dot_dimension_numbers<[1], [0], [0], [1], [0, 0, 1, 1], [], []>, transpose_lhs_hint = false} : vector<16x64xf32>, vector<64x1024xf32>, vector<16x1024xf32> -> vector<16x1024xf32>
    %convert_element_type3A_249 = arith.truncf %dot_general3A_248 : vector<16x1024xf32> to vector<16x1024xbf16>
    %transpose3A_250 = tpu.transpose %convert_element_type3A_249, [1, 0] : vector<16x1024xbf16> -> vector<1024x16xbf16>
    %convert_element_type3A_251 = arith.extf %transpose3A_250 : vector<1024x16xbf16> to vector<1024x16xf32>
    %get3A_252 = arith.constant 0 : index
    %get3A_253 = arith.constant 0 : index
    %get3A_254 = vector.load %arg3[%get3A_252, %get3A_253] : memref<1x16xf32, #tpu.memory_space<vmem>>, vector<1x16xf32>
    %add3A_255 = vector.broadcast %get3A_254 : vector<1x16xf32> to vector<1024x16xf32>
    %add3A_256 = arith.addf %convert_element_type3A_251, %add3A_255 : vector<1024x16xf32>
    %swap3A_257 = arith.constant 1024 : index
    %swap3A_258 = arith.constant 80 : index
    %swap3A_259 = vector.load %arg4[%swap3A_257, %swap3A_258] : memref<4096x128xf32, #tpu.memory_space<vmem>>, vector<1024x16xf32>
    tpu.vector_store %arg4[%swap3A_257, %swap3A_258], %add3A_256 {strides = array<i32>} : memref<4096x128xf32, #tpu.memory_space<vmem>>, vector<1024x16xf32>,
    %get3A_260 = arith.constant 0 : index
    %get3A_261 = arith.constant 0 : index
    %get3A_262 = vector.load %arg2[%get3A_260, %get3A_261] : memref<16x64xf32, #tpu.memory_space<vmem>>, vector<16x64xf32>
    %get3A_263 = arith.constant 0 : index
    %get3A_264 = arith.constant 14336 : index
    %get3A_265 = vector.load %arg1[%get3A_263, %get3A_264] : memref<64x32768xf32, #tpu.memory_space<vmem>>, vector<64x1024xf32>
    %dot_general3A_266 = arith.constant dense<0.000000e+00> : vector<16x1024xf32>
    %dot_general3A_267 = tpu.matmul %get3A_262, %get3A_265, %dot_general3A_266 {dimension_numbers = #tpu.dot_dimension_numbers<[1], [0], [0], [1], [0, 0, 1, 1], [], []>, transpose_lhs_hint = false} : vector<16x64xf32>, vector<64x1024xf32>, vector<16x1024xf32> -> vector<16x1024xf32>
    %convert_element_type3A_268 = arith.truncf %dot_general3A_267 : vector<16x1024xf32> to vector<16x1024xbf16>
    %transpose3A_269 = tpu.transpose %convert_element_type3A_268, [1, 0] : vector<16x1024xbf16> -> vector<1024x16xbf16>
    %convert_element_type3A_270 = arith.extf %transpose3A_269 : vector<1024x16xbf16> to vector<1024x16xf32>
    %get3A_271 = arith.constant 0 : index
    %get3A_272 = arith.constant 0 : index
    %get3A_273 = vector.load %arg3[%get3A_271, %get3A_272] : memref<1x16xf32, #tpu.memory_space<vmem>>, vector<1x16xf32>
    %add3A_274 = vector.broadcast %get3A_273 : vector<1x16xf32> to vector<1024x16xf32>
    %add3A_275 = arith.addf %convert_element_type3A_270, %add3A_274 : vector<1024x16xf32>
    %swap3A_276 = arith.constant 1024 : index
    %swap3A_277 = arith.constant 96 : index
    %swap3A_278 = vector.load %arg4[%swap3A_276, %swap3A_277] : memref<4096x128xf32, #tpu.memory_space<vmem>>, vector<1024x16xf32>
    tpu.vector_store %arg4[%swap3A_276, %swap3A_277], %add3A_275 {strides = array<i32>} : memref<4096x128xf32, #tpu.memory_space<vmem>>, vector<1024x16xf32>,
    %get3A_279 = arith.constant 0 : index
    %get3A_280 = arith.constant 0 : index
    %get3A_281 = vector.load %arg2[%get3A_279, %get3A_280] : memref<16x64xf32, #tpu.memory_space<vmem>>, vector<16x64xf32>
    %get3A_282 = arith.constant 0 : index
    %get3A_283 = arith.constant 15360 : index
    %get3A_284 = vector.load %arg1[%get3A_282, %get3A_283] : memref<64x32768xf32, #tpu.memory_space<vmem>>, vector<64x1024xf32>
    %dot_general3A_285 = arith.constant dense<0.000000e+00> : vector<16x1024xf32>
    %dot_general3A_286 = tpu.matmul %get3A_281, %get3A_284, %dot_general3A_285 {dimension_numbers = #tpu.dot_dimension_numbers<[1], [0], [0], [1], [0, 0, 1, 1], [], []>, transpose_lhs_hint = false} : vector<16x64xf32>, vector<64x1024xf32>, vector<16x1024xf32> -> vector<16x1024xf32>
    %convert_element_type3A_287 = arith.truncf %dot_general3A_286 : vector<16x1024xf32> to vector<16x1024xbf16>
    %transpose3A_288 = tpu.transpose %convert_element_type3A_287, [1, 0] : vector<16x1024xbf16> -> vector<1024x16xbf16>
    %convert_element_type3A_289 = arith.extf %transpose3A_288 : vector<1024x16xbf16> to vector<1024x16xf32>
    %get3A_290 = arith.constant 0 : index
    %get3A_291 = arith.constant 0 : index
    %get3A_292 = vector.load %arg3[%get3A_290, %get3A_291] : memref<1x16xf32, #tpu.memory_space<vmem>>, vector<1x16xf32>
    %add3A_293 = vector.broadcast %get3A_292 : vector<1x16xf32> to vector<1024x16xf32>
    %add3A_294 = arith.addf %convert_element_type3A_289, %add3A_293 : vector<1024x16xf32>
    %swap3A_295 = arith.constant 1024 : index
    %swap3A_296 = arith.constant 112 : index
    %swap3A_297 = vector.load %arg4[%swap3A_295, %swap3A_296] : memref<4096x128xf32, #tpu.memory_space<vmem>>, vector<1024x16xf32>
    tpu.vector_store %arg4[%swap3A_295, %swap3A_296], %add3A_294 {strides = array<i32>} : memref<4096x128xf32, #tpu.memory_space<vmem>>, vector<1024x16xf32>,
    %get3A_298 = arith.constant 0 : index
    %get3A_299 = arith.constant 0 : index
    %get3A_300 = vector.load %arg2[%get3A_298, %get3A_299] : memref<16x64xf32, #tpu.memory_space<vmem>>, vector<16x64xf32>
    %get3A_301 = arith.constant 0 : index
    %get3A_302 = arith.constant 16384 : index
    %get3A_303 = vector.load %arg1[%get3A_301, %get3A_302] : memref<64x32768xf32, #tpu.memory_space<vmem>>, vector<64x1024xf32>
    %dot_general3A_304 = arith.constant dense<0.000000e+00> : vector<16x1024xf32>
    %dot_general3A_305 = tpu.matmul %get3A_300, %get3A_303, %dot_general3A_304 {dimension_numbers = #tpu.dot_dimension_numbers<[1], [0], [0], [1], [0, 0, 1, 1], [], []>, transpose_lhs_hint = false} : vector<16x64xf32>, vector<64x1024xf32>, vector<16x1024xf32> -> vector<16x1024xf32>
    %convert_element_type3A_306 = arith.truncf %dot_general3A_305 : vector<16x1024xf32> to vector<16x1024xbf16>
    %transpose3A_307 = tpu.transpose %convert_element_type3A_306, [1, 0] : vector<16x1024xbf16> -> vector<1024x16xbf16>
    %convert_element_type3A_308 = arith.extf %transpose3A_307 : vector<1024x16xbf16> to vector<1024x16xf32>
    %get3A_309 = arith.constant 0 : index
    %get3A_310 = arith.constant 0 : index
    %get3A_311 = vector.load %arg3[%get3A_309, %get3A_310] : memref<1x16xf32, #tpu.memory_space<vmem>>, vector<1x16xf32>
    %add3A_312 = vector.broadcast %get3A_311 : vector<1x16xf32> to vector<1024x16xf32>
    %add3A_313 = arith.addf %convert_element_type3A_308, %add3A_312 : vector<1024x16xf32>
    %swap3A_314 = arith.constant 2048 : index
    %swap3A_315 = arith.constant 0 : index
    %swap3A_316 = vector.load %arg4[%swap3A_314, %swap3A_315] : memref<4096x128xf32, #tpu.memory_space<vmem>>, vector<1024x16xf32>
    tpu.vector_store %arg4[%swap3A_314, %swap3A_315], %add3A_313 {strides = array<i32>} : memref<4096x128xf32, #tpu.memory_space<vmem>>, vector<1024x16xf32>,
    %get3A_317 = arith.constant 0 : index
    %get3A_318 = arith.constant 0 : index
    %get3A_319 = vector.load %arg2[%get3A_317, %get3A_318] : memref<16x64xf32, #tpu.memory_space<vmem>>, vector<16x64xf32>
    %get3A_320 = arith.constant 0 : index
    %get3A_321 = arith.constant 17408 : index
    %get3A_322 = vector.load %arg1[%get3A_320, %get3A_321] : memref<64x32768xf32, #tpu.memory_space<vmem>>, vector<64x1024xf32>
    %dot_general3A_323 = arith.constant dense<0.000000e+00> : vector<16x1024xf32>
    %dot_general3A_324 = tpu.matmul %get3A_319, %get3A_322, %dot_general3A_323 {dimension_numbers = #tpu.dot_dimension_numbers<[1], [0], [0], [1], [0, 0, 1, 1], [], []>, transpose_lhs_hint = false} : vector<16x64xf32>, vector<64x1024xf32>, vector<16x1024xf32> -> vector<16x1024xf32>
    %convert_element_type3A_325 = arith.truncf %dot_general3A_324 : vector<16x1024xf32> to vector<16x1024xbf16>
    %transpose3A_326 = tpu.transpose %convert_element_type3A_325, [1, 0] : vector<16x1024xbf16> -> vector<1024x16xbf16>
    %convert_element_type3A_327 = arith.extf %transpose3A_326 : vector<1024x16xbf16> to vector<1024x16xf32>
    %get3A_328 = arith.constant 0 : index
    %get3A_329 = arith.constant 0 : index
    %get3A_330 = vector.load %arg3[%get3A_328, %get3A_329] : memref<1x16xf32, #tpu.memory_space<vmem>>, vector<1x16xf32>
    %add3A_331 = vector.broadcast %get3A_330 : vector<1x16xf32> to vector<1024x16xf32>
    %add3A_332 = arith.addf %convert_element_type3A_327, %add3A_331 : vector<1024x16xf32>
    %swap3A_333 = arith.constant 2048 : index
    %swap3A_334 = arith.constant 16 : index
    %swap3A_335 = vector.load %arg4[%swap3A_333, %swap3A_334] : memref<4096x128xf32, #tpu.memory_space<vmem>>, vector<1024x16xf32>
    tpu.vector_store %arg4[%swap3A_333, %swap3A_334], %add3A_332 {strides = array<i32>} : memref<4096x128xf32, #tpu.memory_space<vmem>>, vector<1024x16xf32>,
    %get3A_336 = arith.constant 0 : index
    %get3A_337 = arith.constant 0 : index
    %get3A_338 = vector.load %arg2[%get3A_336, %get3A_337] : memref<16x64xf32, #tpu.memory_space<vmem>>, vector<16x64xf32>
    %get3A_339 = arith.constant 0 : index
    %get3A_340 = arith.constant 18432 : index
    %get3A_341 = vector.load %arg1[%get3A_339, %get3A_340] : memref<64x32768xf32, #tpu.memory_space<vmem>>, vector<64x1024xf32>
    %dot_general3A_342 = arith.constant dense<0.000000e+00> : vector<16x1024xf32>
    %dot_general3A_343 = tpu.matmul %get3A_338, %get3A_341, %dot_general3A_342 {dimension_numbers = #tpu.dot_dimension_numbers<[1], [0], [0], [1], [0, 0, 1, 1], [], []>, transpose_lhs_hint = false} : vector<16x64xf32>, vector<64x1024xf32>, vector<16x1024xf32> -> vector<16x1024xf32>
    %convert_element_type3A_344 = arith.truncf %dot_general3A_343 : vector<16x1024xf32> to vector<16x1024xbf16>
    %transpose3A_345 = tpu.transpose %convert_element_type3A_344, [1, 0] : vector<16x1024xbf16> -> vector<1024x16xbf16>
    %convert_element_type3A_346 = arith.extf %transpose3A_345 : vector<1024x16xbf16> to vector<1024x16xf32>
    %get3A_347 = arith.constant 0 : index
    %get3A_348 = arith.constant 0 : index
    %get3A_349 = vector.load %arg3[%get3A_347, %get3A_348] : memref<1x16xf32, #tpu.memory_space<vmem>>, vector<1x16xf32>
    %add3A_350 = vector.broadcast %get3A_349 : vector<1x16xf32> to vector<1024x16xf32>
    %add3A_351 = arith.addf %convert_element_type3A_346, %add3A_350 : vector<1024x16xf32>
    %swap3A_352 = arith.constant 2048 : index
    %swap3A_353 = arith.constant 32 : index
    %swap3A_354 = vector.load %arg4[%swap3A_352, %swap3A_353] : memref<4096x128xf32, #tpu.memory_space<vmem>>, vector<1024x16xf32>
    tpu.vector_store %arg4[%swap3A_352, %swap3A_353], %add3A_351 {strides = array<i32>} : memref<4096x128xf32, #tpu.memory_space<vmem>>, vector<1024x16xf32>,
    %get3A_355 = arith.constant 0 : index
    %get3A_356 = arith.constant 0 : index
    %get3A_357 = vector.load %arg2[%get3A_355, %get3A_356] : memref<16x64xf32, #tpu.memory_space<vmem>>, vector<16x64xf32>
    %get3A_358 = arith.constant 0 : index
    %get3A_359 = arith.constant 19456 : index
    %get3A_360 = vector.load %arg1[%get3A_358, %get3A_359] : memref<64x32768xf32, #tpu.memory_space<vmem>>, vector<64x1024xf32>
    %dot_general3A_361 = arith.constant dense<0.000000e+00> : vector<16x1024xf32>
    %dot_general3A_362 = tpu.matmul %get3A_357, %get3A_360, %dot_general3A_361 {dimension_numbers = #tpu.dot_dimension_numbers<[1], [0], [0], [1], [0, 0, 1, 1], [], []>, transpose_lhs_hint = false} : vector<16x64xf32>, vector<64x1024xf32>, vector<16x1024xf32> -> vector<16x1024xf32>
    %convert_element_type3A_363 = arith.truncf %dot_general3A_362 : vector<16x1024xf32> to vector<16x1024xbf16>
    %transpose3A_364 = tpu.transpose %convert_element_type3A_363, [1, 0] : vector<16x1024xbf16> -> vector<1024x16xbf16>
    %convert_element_type3A_365 = arith.extf %transpose3A_364 : vector<1024x16xbf16> to vector<1024x16xf32>
    %get3A_366 = arith.constant 0 : index
    %get3A_367 = arith.constant 0 : index
    %get3A_368 = vector.load %arg3[%get3A_366, %get3A_367] : memref<1x16xf32, #tpu.memory_space<vmem>>, vector<1x16xf32>
    %add3A_369 = vector.broadcast %get3A_368 : vector<1x16xf32> to vector<1024x16xf32>
    %add3A_370 = arith.addf %convert_element_type3A_365, %add3A_369 : vector<1024x16xf32>
    %swap3A_371 = arith.constant 2048 : index
    %swap3A_372 = arith.constant 48 : index
    %swap3A_373 = vector.load %arg4[%swap3A_371, %swap3A_372] : memref<4096x128xf32, #tpu.memory_space<vmem>>, vector<1024x16xf32>
    tpu.vector_store %arg4[%swap3A_371, %swap3A_372], %add3A_370 {strides = array<i32>} : memref<4096x128xf32, #tpu.memory_space<vmem>>, vector<1024x16xf32>,
    %get3A_374 = arith.constant 0 : index
    %get3A_375 = arith.constant 0 : index
    %get3A_376 = vector.load %arg2[%get3A_374, %get3A_375] : memref<16x64xf32, #tpu.memory_space<vmem>>, vector<16x64xf32>
    %get3A_377 = arith.constant 0 : index
    %get3A_378 = arith.constant 20480 : index
    %get3A_379 = vector.load %arg1[%get3A_377, %get3A_378] : memref<64x32768xf32, #tpu.memory_space<vmem>>, vector<64x1024xf32>
    %dot_general3A_380 = arith.constant dense<0.000000e+00> : vector<16x1024xf32>
    %dot_general3A_381 = tpu.matmul %get3A_376, %get3A_379, %dot_general3A_380 {dimension_numbers = #tpu.dot_dimension_numbers<[1], [0], [0], [1], [0, 0, 1, 1], [], []>, transpose_lhs_hint = false} : vector<16x64xf32>, vector<64x1024xf32>, vector<16x1024xf32> -> vector<16x1024xf32>
    %convert_element_type3A_382 = arith.truncf %dot_general3A_381 : vector<16x1024xf32> to vector<16x1024xbf16>
    %transpose3A_383 = tpu.transpose %convert_element_type3A_382, [1, 0] : vector<16x1024xbf16> -> vector<1024x16xbf16>
    %convert_element_type3A_384 = arith.extf %transpose3A_383 : vector<1024x16xbf16> to vector<1024x16xf32>
    %get3A_385 = arith.constant 0 : index
    %get3A_386 = arith.constant 0 : index
    %get3A_387 = vector.load %arg3[%get3A_385, %get3A_386] : memref<1x16xf32, #tpu.memory_space<vmem>>, vector<1x16xf32>
    %add3A_388 = vector.broadcast %get3A_387 : vector<1x16xf32> to vector<1024x16xf32>
    %add3A_389 = arith.addf %convert_element_type3A_384, %add3A_388 : vector<1024x16xf32>
    %swap3A_390 = arith.constant 2048 : index
    %swap3A_391 = arith.constant 64 : index
    %swap3A_392 = vector.load %arg4[%swap3A_390, %swap3A_391] : memref<4096x128xf32, #tpu.memory_space<vmem>>, vector<1024x16xf32>
    tpu.vector_store %arg4[%swap3A_390, %swap3A_391], %add3A_389 {strides = array<i32>} : memref<4096x128xf32, #tpu.memory_space<vmem>>, vector<1024x16xf32>,
    %get3A_393 = arith.constant 0 : index
    %get3A_394 = arith.constant 0 : index
    %get3A_395 = vector.load %arg2[%get3A_393, %get3A_394] : memref<16x64xf32, #tpu.memory_space<vmem>>, vector<16x64xf32>
    %get3A_396 = arith.constant 0 : index
    %get3A_397 = arith.constant 21504 : index
    %get3A_398 = vector.load %arg1[%get3A_396, %get3A_397] : memref<64x32768xf32, #tpu.memory_space<vmem>>, vector<64x1024xf32>
    %dot_general3A_399 = arith.constant dense<0.000000e+00> : vector<16x1024xf32>
    %dot_general3A_400 = tpu.matmul %get3A_395, %get3A_398, %dot_general3A_399 {dimension_numbers = #tpu.dot_dimension_numbers<[1], [0], [0], [1], [0, 0, 1, 1], [], []>, transpose_lhs_hint = false} : vector<16x64xf32>, vector<64x1024xf32>, vector<16x1024xf32> -> vector<16x1024xf32>
    %convert_element_type3A_401 = arith.truncf %dot_general3A_400 : vector<16x1024xf32> to vector<16x1024xbf16>
    %transpose3A_402 = tpu.transpose %convert_element_type3A_401, [1, 0] : vector<16x1024xbf16> -> vector<1024x16xbf16>
    %convert_element_type3A_403 = arith.extf %transpose3A_402 : vector<1024x16xbf16> to vector<1024x16xf32>
    %get3A_404 = arith.constant 0 : index
    %get3A_405 = arith.constant 0 : index
    %get3A_406 = vector.load %arg3[%get3A_404, %get3A_405] : memref<1x16xf32, #tpu.memory_space<vmem>>, vector<1x16xf32>
    %add3A_407 = vector.broadcast %get3A_406 : vector<1x16xf32> to vector<1024x16xf32>
    %add3A_408 = arith.addf %convert_element_type3A_403, %add3A_407 : vector<1024x16xf32>
    %swap3A_409 = arith.constant 2048 : index
    %swap3A_410 = arith.constant 80 : index
    %swap3A_411 = vector.load %arg4[%swap3A_409, %swap3A_410] : memref<4096x128xf32, #tpu.memory_space<vmem>>, vector<1024x16xf32>
    tpu.vector_store %arg4[%swap3A_409, %swap3A_410], %add3A_408 {strides = array<i32>} : memref<4096x128xf32, #tpu.memory_space<vmem>>, vector<1024x16xf32>,
    %get3A_412 = arith.constant 0 : index
    %get3A_413 = arith.constant 0 : index
    %get3A_414 = vector.load %arg2[%get3A_412, %get3A_413] : memref<16x64xf32, #tpu.memory_space<vmem>>, vector<16x64xf32>
    %get3A_415 = arith.constant 0 : index
    %get3A_416 = arith.constant 22528 : index
    %get3A_417 = vector.load %arg1[%get3A_415, %get3A_416] : memref<64x32768xf32, #tpu.memory_space<vmem>>, vector<64x1024xf32>
    %dot_general3A_418 = arith.constant dense<0.000000e+00> : vector<16x1024xf32>
    %dot_general3A_419 = tpu.matmul %get3A_414, %get3A_417, %dot_general3A_418 {dimension_numbers = #tpu.dot_dimension_numbers<[1], [0], [0], [1], [0, 0, 1, 1], [], []>, transpose_lhs_hint = false} : vector<16x64xf32>, vector<64x1024xf32>, vector<16x1024xf32> -> vector<16x1024xf32>
    %convert_element_type3A_420 = arith.truncf %dot_general3A_419 : vector<16x1024xf32> to vector<16x1024xbf16>
    %transpose3A_421 = tpu.transpose %convert_element_type3A_420, [1, 0] : vector<16x1024xbf16> -> vector<1024x16xbf16>
    %convert_element_type3A_422 = arith.extf %transpose3A_421 : vector<1024x16xbf16> to vector<1024x16xf32>
    %get3A_423 = arith.constant 0 : index
    %get3A_424 = arith.constant 0 : index
    %get3A_425 = vector.load %arg3[%get3A_423, %get3A_424] : memref<1x16xf32, #tpu.memory_space<vmem>>, vector<1x16xf32>
    %add3A_426 = vector.broadcast %get3A_425 : vector<1x16xf32> to vector<1024x16xf32>
    %add3A_427 = arith.addf %convert_element_type3A_422, %add3A_426 : vector<1024x16xf32>
    %swap3A_428 = arith.constant 2048 : index
    %swap3A_429 = arith.constant 96 : index
    %swap3A_430 = vector.load %arg4[%swap3A_428, %swap3A_429] : memref<4096x128xf32, #tpu.memory_space<vmem>>, vector<1024x16xf32>
    tpu.vector_store %arg4[%swap3A_428, %swap3A_429], %add3A_427 {strides = array<i32>} : memref<4096x128xf32, #tpu.memory_space<vmem>>, vector<1024x16xf32>,
    %get3A_431 = arith.constant 0 : index
    %get3A_432 = arith.constant 0 : index
    %get3A_433 = vector.load %arg2[%get3A_431, %get3A_432] : memref<16x64xf32, #tpu.memory_space<vmem>>, vector<16x64xf32>
    %get3A_434 = arith.constant 0 : index
    %get3A_435 = arith.constant 23552 : index
    %get3A_436 = vector.load %arg1[%get3A_434, %get3A_435] : memref<64x32768xf32, #tpu.memory_space<vmem>>, vector<64x1024xf32>
    %dot_general3A_437 = arith.constant dense<0.000000e+00> : vector<16x1024xf32>
    %dot_general3A_438 = tpu.matmul %get3A_433, %get3A_436, %dot_general3A_437 {dimension_numbers = #tpu.dot_dimension_numbers<[1], [0], [0], [1], [0, 0, 1, 1], [], []>, transpose_lhs_hint = false} : vector<16x64xf32>, vector<64x1024xf32>, vector<16x1024xf32> -> vector<16x1024xf32>
    %convert_element_type3A_439 = arith.truncf %dot_general3A_438 : vector<16x1024xf32> to vector<16x1024xbf16>
    %transpose3A_440 = tpu.transpose %convert_element_type3A_439, [1, 0] : vector<16x1024xbf16> -> vector<1024x16xbf16>
    %convert_element_type3A_441 = arith.extf %transpose3A_440 : vector<1024x16xbf16> to vector<1024x16xf32>
    %get3A_442 = arith.constant 0 : index
    %get3A_443 = arith.constant 0 : index
    %get3A_444 = vector.load %arg3[%get3A_442, %get3A_443] : memref<1x16xf32, #tpu.memory_space<vmem>>, vector<1x16xf32>
    %add3A_445 = vector.broadcast %get3A_444 : vector<1x16xf32> to vector<1024x16xf32>
    %add3A_446 = arith.addf %convert_element_type3A_441, %add3A_445 : vector<1024x16xf32>
    %swap3A_447 = arith.constant 2048 : index
    %swap3A_448 = arith.constant 112 : index
    %swap3A_449 = vector.load %arg4[%swap3A_447, %swap3A_448] : memref<4096x128xf32, #tpu.memory_space<vmem>>, vector<1024x16xf32>
    tpu.vector_store %arg4[%swap3A_447, %swap3A_448], %add3A_446 {strides = array<i32>} : memref<4096x128xf32, #tpu.memory_space<vmem>>, vector<1024x16xf32>,
    %get3A_450 = arith.constant 0 : index
    %get3A_451 = arith.constant 0 : index
    %get3A_452 = vector.load %arg2[%get3A_450, %get3A_451] : memref<16x64xf32, #tpu.memory_space<vmem>>, vector<16x64xf32>
    %get3A_453 = arith.constant 0 : index
    %get3A_454 = arith.constant 24576 : index
    %get3A_455 = vector.load %arg1[%get3A_453, %get3A_454] : memref<64x32768xf32, #tpu.memory_space<vmem>>, vector<64x1024xf32>
    %dot_general3A_456 = arith.constant dense<0.000000e+00> : vector<16x1024xf32>
    %dot_general3A_457 = tpu.matmul %get3A_452, %get3A_455, %dot_general3A_456 {dimension_numbers = #tpu.dot_dimension_numbers<[1], [0], [0], [1], [0, 0, 1, 1], [], []>, transpose_lhs_hint = false} : vector<16x64xf32>, vector<64x1024xf32>, vector<16x1024xf32> -> vector<16x1024xf32>
    %convert_element_type3A_458 = arith.truncf %dot_general3A_457 : vector<16x1024xf32> to vector<16x1024xbf16>
    %transpose3A_459 = tpu.transpose %convert_element_type3A_458, [1, 0] : vector<16x1024xbf16> -> vector<1024x16xbf16>
    %convert_element_type3A_460 = arith.extf %transpose3A_459 : vector<1024x16xbf16> to vector<1024x16xf32>
    %get3A_461 = arith.constant 0 : index
    %get3A_462 = arith.constant 0 : index
    %get3A_463 = vector.load %arg3[%get3A_461, %get3A_462] : memref<1x16xf32, #tpu.memory_space<vmem>>, vector<1x16xf32>
    %add3A_464 = vector.broadcast %get3A_463 : vector<1x16xf32> to vector<1024x16xf32>
    %add3A_465 = arith.addf %convert_element_type3A_460, %add3A_464 : vector<1024x16xf32>
    %swap3A_466 = arith.constant 3072 : index
    %swap3A_467 = arith.constant 0 : index
    %swap3A_468 = vector.load %arg4[%swap3A_466, %swap3A_467] : memref<4096x128xf32, #tpu.memory_space<vmem>>, vector<1024x16xf32>
    tpu.vector_store %arg4[%swap3A_466, %swap3A_467], %add3A_465 {strides = array<i32>} : memref<4096x128xf32, #tpu.memory_space<vmem>>, vector<1024x16xf32>,
    %get3A_469 = arith.constant 0 : index
    %get3A_470 = arith.constant 0 : index
    %get3A_471 = vector.load %arg2[%get3A_469, %get3A_470] : memref<16x64xf32, #tpu.memory_space<vmem>>, vector<16x64xf32>
    %get3A_472 = arith.constant 0 : index
    %get3A_473 = arith.constant 25600 : index
    %get3A_474 = vector.load %arg1[%get3A_472, %get3A_473] : memref<64x32768xf32, #tpu.memory_space<vmem>>, vector<64x1024xf32>
    %dot_general3A_475 = arith.constant dense<0.000000e+00> : vector<16x1024xf32>
    %dot_general3A_476 = tpu.matmul %get3A_471, %get3A_474, %dot_general3A_475 {dimension_numbers = #tpu.dot_dimension_numbers<[1], [0], [0], [1], [0, 0, 1, 1], [], []>, transpose_lhs_hint = false} : vector<16x64xf32>, vector<64x1024xf32>, vector<16x1024xf32> -> vector<16x1024xf32>
    %convert_element_type3A_477 = arith.truncf %dot_general3A_476 : vector<16x1024xf32> to vector<16x1024xbf16>
    %transpose3A_478 = tpu.transpose %convert_element_type3A_477, [1, 0] : vector<16x1024xbf16> -> vector<1024x16xbf16>
    %convert_element_type3A_479 = arith.extf %transpose3A_478 : vector<1024x16xbf16> to vector<1024x16xf32>
    %get3A_480 = arith.constant 0 : index
    %get3A_481 = arith.constant 0 : index
    %get3A_482 = vector.load %arg3[%get3A_480, %get3A_481] : memref<1x16xf32, #tpu.memory_space<vmem>>, vector<1x16xf32>
    %add3A_483 = vector.broadcast %get3A_482 : vector<1x16xf32> to vector<1024x16xf32>
    %add3A_484 = arith.addf %convert_element_type3A_479, %add3A_483 : vector<1024x16xf32>
    %swap3A_485 = arith.constant 3072 : index
    %swap3A_486 = arith.constant 16 : index
    %swap3A_487 = vector.load %arg4[%swap3A_485, %swap3A_486] : memref<4096x128xf32, #tpu.memory_space<vmem>>, vector<1024x16xf32>
    tpu.vector_store %arg4[%swap3A_485, %swap3A_486], %add3A_484 {strides = array<i32>} : memref<4096x128xf32, #tpu.memory_space<vmem>>, vector<1024x16xf32>,
    %get3A_488 = arith.constant 0 : index
    %get3A_489 = arith.constant 0 : index
    %get3A_490 = vector.load %arg2[%get3A_488, %get3A_489] : memref<16x64xf32, #tpu.memory_space<vmem>>, vector<16x64xf32>
    %get3A_491 = arith.constant 0 : index
    %get3A_492 = arith.constant 26624 : index
    %get3A_493 = vector.load %arg1[%get3A_491, %get3A_492] : memref<64x32768xf32, #tpu.memory_space<vmem>>, vector<64x1024xf32>
    %dot_general3A_494 = arith.constant dense<0.000000e+00> : vector<16x1024xf32>
    %dot_general3A_495 = tpu.matmul %get3A_490, %get3A_493, %dot_general3A_494 {dimension_numbers = #tpu.dot_dimension_numbers<[1], [0], [0], [1], [0, 0, 1, 1], [], []>, transpose_lhs_hint = false} : vector<16x64xf32>, vector<64x1024xf32>, vector<16x1024xf32> -> vector<16x1024xf32>
    %convert_element_type3A_496 = arith.truncf %dot_general3A_495 : vector<16x1024xf32> to vector<16x1024xbf16>
    %transpose3A_497 = tpu.transpose %convert_element_type3A_496, [1, 0] : vector<16x1024xbf16> -> vector<1024x16xbf16>
    %convert_element_type3A_498 = arith.extf %transpose3A_497 : vector<1024x16xbf16> to vector<1024x16xf32>
    %get3A_499 = arith.constant 0 : index
    %get3A_500 = arith.constant 0 : index
    %get3A_501 = vector.load %arg3[%get3A_499, %get3A_500] : memref<1x16xf32, #tpu.memory_space<vmem>>, vector<1x16xf32>
    %add3A_502 = vector.broadcast %get3A_501 : vector<1x16xf32> to vector<1024x16xf32>
    %add3A_503 = arith.addf %convert_element_type3A_498, %add3A_502 : vector<1024x16xf32>
    %swap3A_504 = arith.constant 3072 : index
    %swap3A_505 = arith.constant 32 : index
    %swap3A_506 = vector.load %arg4[%swap3A_504, %swap3A_505] : memref<4096x128xf32, #tpu.memory_space<vmem>>, vector<1024x16xf32>
    tpu.vector_store %arg4[%swap3A_504, %swap3A_505], %add3A_503 {strides = array<i32>} : memref<4096x128xf32, #tpu.memory_space<vmem>>, vector<1024x16xf32>,
    %get3A_507 = arith.constant 0 : index
    %get3A_508 = arith.constant 0 : index
    %get3A_509 = vector.load %arg2[%get3A_507, %get3A_508] : memref<16x64xf32, #tpu.memory_space<vmem>>, vector<16x64xf32>
    %get3A_510 = arith.constant 0 : index
    %get3A_511 = arith.constant 27648 : index
    %get3A_512 = vector.load %arg1[%get3A_510, %get3A_511] : memref<64x32768xf32, #tpu.memory_space<vmem>>, vector<64x1024xf32>
    %dot_general3A_513 = arith.constant dense<0.000000e+00> : vector<16x1024xf32>
    %dot_general3A_514 = tpu.matmul %get3A_509, %get3A_512, %dot_general3A_513 {dimension_numbers = #tpu.dot_dimension_numbers<[1], [0], [0], [1], [0, 0, 1, 1], [], []>, transpose_lhs_hint = false} : vector<16x64xf32>, vector<64x1024xf32>, vector<16x1024xf32> -> vector<16x1024xf32>
    %convert_element_type3A_515 = arith.truncf %dot_general3A_514 : vector<16x1024xf32> to vector<16x1024xbf16>
    %transpose3A_516 = tpu.transpose %convert_element_type3A_515, [1, 0] : vector<16x1024xbf16> -> vector<1024x16xbf16>
    %convert_element_type3A_517 = arith.extf %transpose3A_516 : vector<1024x16xbf16> to vector<1024x16xf32>
    %get3A_518 = arith.constant 0 : index
    %get3A_519 = arith.constant 0 : index
    %get3A_520 = vector.load %arg3[%get3A_518, %get3A_519] : memref<1x16xf32, #tpu.memory_space<vmem>>, vector<1x16xf32>
    %add3A_521 = vector.broadcast %get3A_520 : vector<1x16xf32> to vector<1024x16xf32>
    %add3A_522 = arith.addf %convert_element_type3A_517, %add3A_521 : vector<1024x16xf32>
    %swap3A_523 = arith.constant 3072 : index
    %swap3A_524 = arith.constant 48 : index
    %swap3A_525 = vector.load %arg4[%swap3A_523, %swap3A_524] : memref<4096x128xf32, #tpu.memory_space<vmem>>, vector<1024x16xf32>
    tpu.vector_store %arg4[%swap3A_523, %swap3A_524], %add3A_522 {strides = array<i32>} : memref<4096x128xf32, #tpu.memory_space<vmem>>, vector<1024x16xf32>,
    %get3A_526 = arith.constant 0 : index
    %get3A_527 = arith.constant 0 : index
    %get3A_528 = vector.load %arg2[%get3A_526, %get3A_527] : memref<16x64xf32, #tpu.memory_space<vmem>>, vector<16x64xf32>
    %get3A_529 = arith.constant 0 : index
    %get3A_530 = arith.constant 28672 : index
    %get3A_531 = vector.load %arg1[%get3A_529, %get3A_530] : memref<64x32768xf32, #tpu.memory_space<vmem>>, vector<64x1024xf32>
    %dot_general3A_532 = arith.constant dense<0.000000e+00> : vector<16x1024xf32>
    %dot_general3A_533 = tpu.matmul %get3A_528, %get3A_531, %dot_general3A_532 {dimension_numbers = #tpu.dot_dimension_numbers<[1], [0], [0], [1], [0, 0, 1, 1], [], []>, transpose_lhs_hint = false} : vector<16x64xf32>, vector<64x1024xf32>, vector<16x1024xf32> -> vector<16x1024xf32>
    %convert_element_type3A_534 = arith.truncf %dot_general3A_533 : vector<16x1024xf32> to vector<16x1024xbf16>
    %transpose3A_535 = tpu.transpose %convert_element_type3A_534, [1, 0] : vector<16x1024xbf16> -> vector<1024x16xbf16>
    %convert_element_type3A_536 = arith.extf %transpose3A_535 : vector<1024x16xbf16> to vector<1024x16xf32>
    %get3A_537 = arith.constant 0 : index
    %get3A_538 = arith.constant 0 : index
    %get3A_539 = vector.load %arg3[%get3A_537, %get3A_538] : memref<1x16xf32, #tpu.memory_space<vmem>>, vector<1x16xf32>
    %add3A_540 = vector.broadcast %get3A_539 : vector<1x16xf32> to vector<1024x16xf32>
    %add3A_541 = arith.addf %convert_element_type3A_536, %add3A_540 : vector<1024x16xf32>
    %swap3A_542 = arith.constant 3072 : index
    %swap3A_543 = arith.constant 64 : index
    %swap3A_544 = vector.load %arg4[%swap3A_542, %swap3A_543] : memref<4096x128xf32, #tpu.memory_space<vmem>>, vector<1024x16xf32>
    tpu.vector_store %arg4[%swap3A_542, %swap3A_543], %add3A_541 {strides = array<i32>} : memref<4096x128xf32, #tpu.memory_space<vmem>>, vector<1024x16xf32>,
    %get3A_545 = arith.constant 0 : index
    %get3A_546 = arith.constant 0 : index
    %get3A_547 = vector.load %arg2[%get3A_545, %get3A_546] : memref<16x64xf32, #tpu.memory_space<vmem>>, vector<16x64xf32>
    %get3A_548 = arith.constant 0 : index
    %get3A_549 = arith.constant 29696 : index
    %get3A_550 = vector.load %arg1[%get3A_548, %get3A_549] : memref<64x32768xf32, #tpu.memory_space<vmem>>, vector<64x1024xf32>
    %dot_general3A_551 = arith.constant dense<0.000000e+00> : vector<16x1024xf32>
    %dot_general3A_552 = tpu.matmul %get3A_547, %get3A_550, %dot_general3A_551 {dimension_numbers = #tpu.dot_dimension_numbers<[1], [0], [0], [1], [0, 0, 1, 1], [], []>, transpose_lhs_hint = false} : vector<16x64xf32>, vector<64x1024xf32>, vector<16x1024xf32> -> vector<16x1024xf32>
    %convert_element_type3A_553 = arith.truncf %dot_general3A_552 : vector<16x1024xf32> to vector<16x1024xbf16>
    %transpose3A_554 = tpu.transpose %convert_element_type3A_553, [1, 0] : vector<16x1024xbf16> -> vector<1024x16xbf16>
    %convert_element_type3A_555 = arith.extf %transpose3A_554 : vector<1024x16xbf16> to vector<1024x16xf32>
    %get3A_556 = arith.constant 0 : index
    %get3A_557 = arith.constant 0 : index
    %get3A_558 = vector.load %arg3[%get3A_556, %get3A_557] : memref<1x16xf32, #tpu.memory_space<vmem>>, vector<1x16xf32>
    %add3A_559 = vector.broadcast %get3A_558 : vector<1x16xf32> to vector<1024x16xf32>
    %add3A_560 = arith.addf %convert_element_type3A_555, %add3A_559 : vector<1024x16xf32>
    %swap3A_561 = arith.constant 3072 : index
    %swap3A_562 = arith.constant 80 : index
    %swap3A_563 = vector.load %arg4[%swap3A_561, %swap3A_562] : memref<4096x128xf32, #tpu.memory_space<vmem>>, vector<1024x16xf32>
    tpu.vector_store %arg4[%swap3A_561, %swap3A_562], %add3A_560 {strides = array<i32>} : memref<4096x128xf32, #tpu.memory_space<vmem>>, vector<1024x16xf32>,
    %get3A_564 = arith.constant 0 : index
    %get3A_565 = arith.constant 0 : index
    %get3A_566 = vector.load %arg2[%get3A_564, %get3A_565] : memref<16x64xf32, #tpu.memory_space<vmem>>, vector<16x64xf32>
    %get3A_567 = arith.constant 0 : index
    %get3A_568 = arith.constant 30720 : index
    %get3A_569 = vector.load %arg1[%get3A_567, %get3A_568] : memref<64x32768xf32, #tpu.memory_space<vmem>>, vector<64x1024xf32>
    %dot_general3A_570 = arith.constant dense<0.000000e+00> : vector<16x1024xf32>
    %dot_general3A_571 = tpu.matmul %get3A_566, %get3A_569, %dot_general3A_570 {dimension_numbers = #tpu.dot_dimension_numbers<[1], [0], [0], [1], [0, 0, 1, 1], [], []>, transpose_lhs_hint = false} : vector<16x64xf32>, vector<64x1024xf32>, vector<16x1024xf32> -> vector<16x1024xf32>
    %convert_element_type3A_572 = arith.truncf %dot_general3A_571 : vector<16x1024xf32> to vector<16x1024xbf16>
    %transpose3A_573 = tpu.transpose %convert_element_type3A_572, [1, 0] : vector<16x1024xbf16> -> vector<1024x16xbf16>
    %convert_element_type3A_574 = arith.extf %transpose3A_573 : vector<1024x16xbf16> to vector<1024x16xf32>
    %get3A_575 = arith.constant 0 : index
    %get3A_576 = arith.constant 0 : index
    %get3A_577 = vector.load %arg3[%get3A_575, %get3A_576] : memref<1x16xf32, #tpu.memory_space<vmem>>, vector<1x16xf32>
    %add3A_578 = vector.broadcast %get3A_577 : vector<1x16xf32> to vector<1024x16xf32>
    %add3A_579 = arith.addf %convert_element_type3A_574, %add3A_578 : vector<1024x16xf32>
    %swap3A_580 = arith.constant 3072 : index
    %swap3A_581 = arith.constant 96 : index
    %swap3A_582 = vector.load %arg4[%swap3A_580, %swap3A_581] : memref<4096x128xf32, #tpu.memory_space<vmem>>, vector<1024x16xf32>
    tpu.vector_store %arg4[%swap3A_580, %swap3A_581], %add3A_579 {strides = array<i32>} : memref<4096x128xf32, #tpu.memory_space<vmem>>, vector<1024x16xf32>,
    %get3A_583 = arith.constant 0 : index
    %get3A_584 = arith.constant 0 : index
    %get3A_585 = vector.load %arg2[%get3A_583, %get3A_584] : memref<16x64xf32, #tpu.memory_space<vmem>>, vector<16x64xf32>
    %get3A_586 = arith.constant 0 : index
    %get3A_587 = arith.constant 31744 : index
    %get3A_588 = vector.load %arg1[%get3A_586, %get3A_587] : memref<64x32768xf32, #tpu.memory_space<vmem>>, vector<64x1024xf32>
    %dot_general3A_589 = arith.constant dense<0.000000e+00> : vector<16x1024xf32>
    %dot_general3A_590 = tpu.matmul %get3A_585, %get3A_588, %dot_general3A_589 {dimension_numbers = #tpu.dot_dimension_numbers<[1], [0], [0], [1], [0, 0, 1, 1], [], []>, transpose_lhs_hint = false} : vector<16x64xf32>, vector<64x1024xf32>, vector<16x1024xf32> -> vector<16x1024xf32>
    %convert_element_type3A_591 = arith.truncf %dot_general3A_590 : vector<16x1024xf32> to vector<16x1024xbf16>
    %transpose3A_592 = tpu.transpose %convert_element_type3A_591, [1, 0] : vector<16x1024xbf16> -> vector<1024x16xbf16>
    %convert_element_type3A_593 = arith.extf %transpose3A_592 : vector<1024x16xbf16> to vector<1024x16xf32>
    %get3A_594 = arith.constant 0 : index
    %get3A_595 = arith.constant 0 : index
    %get3A_596 = vector.load %arg3[%get3A_594, %get3A_595] : memref<1x16xf32, #tpu.memory_space<vmem>>, vector<1x16xf32>
    %add3A_597 = vector.broadcast %get3A_596 : vector<1x16xf32> to vector<1024x16xf32>
    %add3A_598 = arith.addf %convert_element_type3A_593, %add3A_597 : vector<1024x16xf32>
    %swap3A_599 = arith.constant 3072 : index
    %swap3A_600 = arith.constant 112 : index
    %swap3A_601 = vector.load %arg4[%swap3A_599, %swap3A_600] : memref<4096x128xf32, #tpu.memory_space<vmem>>, vector<1024x16xf32>
    tpu.vector_store %arg4[%swap3A_599, %swap3A_600], %add3A_598 {strides = array<i32>} : memref<4096x128xf32, #tpu.memory_space<vmem>>, vector<1024x16xf32>,
    return
  }
  func.func @transform_0(%arg0: i32) -> (i32, i32) {
    %c0_i32 = arith.constant 0 : i32
    %c0_i32_0 = arith.constant 0 : i32
    return %c0_i32, %arg0 : i32, i32
  }
  func.func @transform_1(%arg0: i32) -> (i32, i32) {
    %c0_i32 = arith.constant 0 : i32
    %c0_i32_0 = arith.constant 0 : i32
    %c0_i32_1 = arith.constant 0 : i32
    return %c0_i32, %c0_i32_0 : i32, i32
  }
  func.func @transform_2(%arg0: i32) -> (i32, i32) {
    %c0_i32 = arith.constant 0 : i32
    %c0_i32_0 = arith.constant 0 : i32
    %c0_i32_1 = arith.constant 0 : i32
    return %c0_i32, %c0_i32_0 : i32, i32
  }
  func.func @transform_3(%arg0: i32) -> (i32, i32) {
    %c0_i32 = arith.constant 0 : i32
    %c0_i32_0 = arith.constant 0 : i32
    return %arg0, %c0_i32 : i32, i32
  }
}

</mosaic_0001>

<sc_bundles>
// kernel: kernel.4.cloned.1.call-start
scs
__scs_entry_jumppad:
0x0: {  	(pc) =	sbr.rel $0x88, $3  }
0x1: {  	(tag) =	ssettag $0x0;
	lr =	simm.s32 $0x1  }
0x2: {  	[smem:$0x3F9D] =	sst lr;
	_ =	strace $0xD0000000  }
0x3: {  	_ = 	snop  }
0x4: {  	_ = 	snop  }
0x5: {  	_ = 	snop  }
0x6: {  	_ = 	snop  }
0x7: {  	_ = 	snop  }
__scs_overlays_trampoline_lowered:
0x8: {  	[smem:$0x3FAC] =	sst s0  }
0x9: {  	[smem:$0x3FAD] =	sst s1  }
0xa: {  	[smem:$0x3FAE] =	sst s2  }
0xb: {  	[smem:$0x3FAF] =	sst s3  }
0xc: {  	[smem:$0x3FB0] =	sst s4  }
0xd: {  	[smem:$0x3FB1] =	sst s5  }
0xe: {  	[smem:$0x3FB2] =	sst s6  }
0xf: {  	[smem:$0x3FB3] =	sst s7  }
0x10: {  	[smem:$0x3FB4] =	sst s8  }
0x11: {  	[smem:$0x3FB5] =	sst s9;
	s0 =	simm.s32 @!p0 $0x0  }
0x12: {  	s1 =	sld [smem:$0x3F9B];
	s0 =	simm.s32 @p0 $0x1  }
0x13: {  	[smem:$0x3FB6] =	sst s0;
	s0 =	simm.s32 @!p1 $0x0  }
0x14: {  	s2 =	sld [smem:$0x3F9A];
	s0 =	simm.s32 @p1 $0x1  }
0x15: {  	[smem:$0x3FB7] =	sst s0;
	s0 =	simm.s32 @!p2 $0x0  }
0x16: {  	s3 =	sld [smem:$0x3FDB];
	s0 =	simm.s32 @p2 $0x1  }
0x17: {  	s4 =	simm.s32 $0x1BF5;
	[smem:$0x3FB9] =	sst s0  }
0x18: {  	s0 =	sld [smem:$0x3F9C];
	_ =	swait.ge [sflag:s4], $0x0  }
0x19: {  	s7 =	sld [smem:$0x3F9D]  }
0x1a: {  	s8 =	sadd.s32 $0xFFFFE003, lr  }
0x1b: {  	s9 =	sadd.s32 $0xFFFFFEF7, lr;
	s5 =	simm.s32 $0xFFFFFFFF;
	p2 =	slt.u32 s8, $0xFFFFF086  }
0x1c: {  	p1 =	slt.u32 s9, $0xF7A;
	s5 =	simm.s32 @!p2 $0x0  }
0x1d: {  	s5 =	simm.s32 @p1 $0x1;
	p0 =	seq.s32 s7, s2  }
0x1e: {  	s7 =	smul.u32 @!p0 $0xF7A, s2;
	p2 =	seq.s32 @!p0 s5, $0x0  }
0x1f: {  	s9 =	smul.u32 $0xF7A, s1;
	s8 =	simm.s32 @!p0 $0x1BF5;
	p2 =	por !p2, p0  }
0x20: {  	[sflag:s8] =	ssyncset.s32 @!p0 $0xFFFFF086;
	s6 =	sadd.s32 @!p0 s3, s7;
	s7 =	simm.s32 @!p0 $0x108  }
0x21: {  	s3 =	sadd.s32 s3, s9;
	s6 =	sadd.s32 @!p0 $0x88, s6;
	s7 =	simm.s32 @p2 $0x1082  }
0x22: {  	[simem:s7], [sflag:s8] =	dma.local @!p0 [hbm:s6], $0xF7A  }
0x23: {  	s9 =	sor.u32 $0xD0000000, s2;
	s6 =	simm.s32 $0x108;
	_ =	swait.ge @!p0 [sflag:s8], $0x0  }
0x24: {  	s3 =	sadd.s32 $0x88, s3;
	s6 =	simm.s32 @!p1 $0x1082;
	[sflag:s4] =	ssyncset.s32 $0xFFFFF086  }
0x25: {  	[simem:s6], [sflag:s4] =	dma.local [hbm:s3], $0xF7A  }
0x26: {  	[smem:$0x3F9D] =	sst s1;
	(tag) =	ssettag s2;
	_ =	strace s9  }
0x27: {  	s1 =	sld [smem:$0x3FAD]  }
0x28: {  	s2 =	sld [smem:$0x3FAE]  }
0x29: {  	s4 =	sld [smem:$0x3FB0]  }
0x2a: {  	p0 =	seq.s32 s5, $0x0;
	s5 =	sld [smem:$0x3FB1]  }
0x2b: {  	s6 =	sld [smem:$0x3FB2]  }
0x2c: {  	s7 =	sld [smem:$0x3FB3]  }
0x2d: {  	s3 =	simm.s32 $0x108;
	s8 =	sld [smem:$0x3FB4]  }
0x2e: {  	s3 =	simm.s32 @!p0 $0x1082;
	s9 =	sld [smem:$0x3FB5]  }
0x2f: {  	lr =	sadd.s32 s0, s3;
	s0 =	sld [smem:$0x3FAC]  }
0x30: {  	s3 =	sld [smem:$0x3FAF]  }
0x31: {  	[smem:$0x3FB8] =	sst s10  }
0x32: {  	s10 =	sld [smem:$0x3FB6];
	_ =	sdelay $0x3  }
0x33: {  	p0 =	seq.s32 s10, $0x1;
	s10 =	sld [smem:$0x3FB8];
	_ =	sdelay $0x3  }
0x34: {  	[smem:$0x3FB8] =	sst s10  }
0x35: {  	s10 =	sld [smem:$0x3FB7];
	_ =	sdelay $0x3  }
0x36: {  	p1 =	seq.s32 s10, $0x1;
	s10 =	sld [smem:$0x3FB8];
	_ =	sdelay $0x3  }
0x37: {  	[smem:$0x3FB8] =	sst s10  }
0x38: {  	s10 =	sld [smem:$0x3FB9]  }
0x39: {  	_ = 	snop;
	(pc) =	sbr.ind lr, $3  }
0x3a: {  	_ = 	snop  }
0x3b: {  	_ = 	snop  }
0x3c: {  	p2 =	seq.s32 s10, $0x1;
	s10 =	sld [smem:$0x3FB8]  }
0x3d: {  	_ =	shalt  }
0x3e: {  	_ =	shalt  }
0x3f: {  	_ =	shalt  }
0x40: {  	_ =	shalt  }
0x41: {  	_ =	shalt  }
0x42: {  	_ =	shalt  }
0x43: {  	_ =	shalt  }
0x44: {  	_ =	shalt  }
0x45: {  	_ =	shalt  }
0x46: {  	_ =	shalt  }
0x47: {  	_ =	shalt  }
0x48: {  	_ =	shalt  }
0x49: {  	_ =	shalt  }
0x4a: {  	_ =	shalt  }
0x4b: {  	_ =	shalt  }
0x4c: {  	_ =	shalt  }
0x4d: {  	_ =	shalt  }
0x4e: {  	_ =	shalt  }
0x4f: {  	_ =	shalt  }
0x50: {  	_ =	shalt  }
0x51: {  	_ =	shalt  }
0x52: {  	_ =	shalt  }
0x53: {  	_ =	shalt  }
0x54: {  	_ =	shalt  }
0x55: {  	_ =	shalt  }
0x56: {  	_ =	shalt  }
0x57: {  	_ =	shalt  }
0x58: {  	_ =	shalt  }
0x59: {  	_ =	shalt  }
0x5a: {  	_ =	shalt  }
0x5b: {  	_ =	shalt  }
0x5c: {  	_ =	shalt  }
0x5d: {  	_ =	shalt  }
0x5e: {  	_ =	shalt  }
0x5f: {  	_ =	shalt  }
0x60: {  	_ =	shalt  }
0x61: {  	_ =	shalt  }
0x62: {  	_ =	shalt  }
0x63: {  	_ =	shalt  }
0x64: {  	_ =	shalt  }
0x65: {  	_ =	shalt  }
0x66: {  	_ =	shalt  }
0x67: {  	_ =	shalt  }
0x68: {  	_ =	shalt  }
0x69: {  	_ =	shalt  }
0x6a: {  	_ =	shalt  }
0x6b: {  	_ =	shalt  }
0x6c: {  	_ =	shalt  }
0x6d: {  	_ =	shalt  }
0x6e: {  	_ =	shalt  }
0x6f: {  	_ =	shalt  }
0x70: {  	_ =	shalt  }
0x71: {  	_ =	shalt  }
0x72: {  	_ =	shalt  }
0x73: {  	_ =	shalt  }
0x74: {  	_ =	shalt  }
0x75: {  	_ =	shalt  }
0x76: {  	_ =	shalt  }
0x77: {  	_ =	shalt  }
0x78: {  	_ =	shalt  }
0x79: {  	_ =	shalt  }
0x7a: {  	_ =	shalt  }
0x7b: {  	_ =	shalt  }
0x7c: {  	_ =	shalt  }
0x7d: {  	_ =	shalt  }
0x7e: {  	_ =	shalt  }
0x7f: {  	_ =	shalt  }
0x80: {  	_ =	shalt  }
0x81: {  	_ =	shalt  }
0x82: {  	_ =	shalt  }
0x83: {  	_ =	shalt  }
0x84: {  	_ =	shalt  }
0x85: {  	_ =	shalt  }
0x86: {  	_ =	shalt  }
0x87: {  	_ =	shalt  }
.Lfunc_end0:
.L_simem_size_0:
called_computation_lowered:
.L_overlay_start_0:
0x88: {  	s2 =	sld [smem:$0x3FD9]  }
0x89: {  	s3 =	sld [smem:$0x3FFE];
	_ =	sdelay $0x1  }
0x8a: {  	s1 =	srdreg.scid  }
0x8b: {  	s0 =	sand.u32 $0x1, s1  }
0x8c: {  	s17 =	sshll.u32 s0, $0xA;
	s2 =	sadd.s32 s3, s2  }
0x8d: {  	s2 =	sadd.s32 s2, s17  }
0x8e: {  	[smem:$0x3FC4] =	sst s2  }
0x8f: {  	_ = 	snop  }
0x90: {  	s2 =	sld [smem:$0x3FD0];
	(tm) =	ssettm $0x1  }
0x91: {  	s18 =	sld [smem:$0x3FFB];
	_ =	sdelay $0x3  }
0x92: {  	_ =	strace s18  }
0x93: {  	s3 =	sld [smem:$0x3FFC];
	_ =	sdelay $0x3  }
0x94: {  	_ =	strace s3  }
0x95: {  	s3 =	sld [smem:$0x3FFD];
	_ =	sdelay $0x3  }
0x96: {  	_ =	strace s3  }
0x97: {  	_ =	strace $0x8FFFFFFF  }
0x98: {  	s19 =	sld [smem:$0x3FDB];
	_ =	sdelay $0x1  }
0x99: {  	s4 =	simm.s32 $_scs_section_size  }
0x9a: {  	s5 =	simm.s32 $_size__tile_overlayer_lowered;
	s6 =	simm.s32 $_tile_overlayer_lowered  }
0x9b: {  	s22 =	simm.s32 $0x1BFF;
	s21 =	sshll.u32 s6, $0x1;
	s3 =	sadd.s32 s4, s19  }
0x9c: {  	s7 =	simm.s32 $0x0;
	s20 =	sshll.u32 s5, $0x1;
	s5 =	sadd.s32 s21, s3  }
0x9d: {  	[timem:s7], [sflag:s22] =	dma.local [hbm:s5], s20  }
0x9e: {  	_ =	swait.ge [sflag:s22], s20  }
0x9f: {  	s4 =	ssub.s32 $0x0, s20;
	[sflag:s22] =	ssyncset.done $0x0  }
0xa0: {  	[sflag:s22] =	ssyncadd.s32 s4;
	_ =	sdelay $0x1  }
0xa1: {  	s23 =	simm.s32 $0x1B8B  }
0xa2: {  	_ =	swait.ge [sflag:s23], $0x1  }
0xa3: {  	[sflag:s23] =	ssyncset.done $0x0  }
0xa4: {  	s25 =	simm.s32 $0x1B8E;
	s24 =	sld [smem:$0x3FFE];
	[sflag:s23] =	ssyncadd.s32 $0xFFFFFFFF  }
0xa5: {  	s26 =	simm.s32 $execute0_lowered;
	[smem:$0x3FD2] =	sst s25  }
0xa6: {  	s5 =	sshll.u32 s26, $0x1;
	_ =	strace $0x80000046;
	[dreg:$0x1] =	wrdreg $0xFFFFFFFF  }
0xa7: {  	s28 =	simm.s32 $_size_execute0_lowered;
	s3 =	sadd.s32 s3, s5;
	[dreg:$0x0] =	wrdreg $0x0  }
0xa8: {  	s5 =	sshll.u32 s28, $0x1;
	[dreg:$0x2] =	wrdreg s3  }
0xa9: {  	[dreg:$0x3] =	wrdreg s5  }
0xaa: {  	[dreg:$0x4] =	wrdreg $0xC0  }
0xab: {  	_ =	task [dreg:s7], $0x5FFFF  }
0xac: {  	[dreg:$0x1] =	wrdreg $0xFFFFFFFF  }
0xad: {  	[dreg:$0x0] =	wrdreg $0x60  }
0xae: {  	[dreg:$0x2] =	wrdreg s24  }
0xaf: {  	[dreg:$0x3] =	wrdreg s2  }
0xb0: {  	[dreg:$0x4] =	wrdreg $0x9  }
0xb1: {  	_ =	task.clear_ibuf [dreg:s7], $0x5FFFF;
	_ =	strace $0x90000046  }
0xb2: {  	s29 =	simm.s32 $0x9;
	_ =	strace $0x80000048  }
0xb3: {  	_ =	swait.ge [sflag:s29], $0x1  }
0xb4: {  	[sflag:s29] =	ssyncadd.s32 $0xFFFFFFFF  }
0xb5: {  	_ =	strace $0x90000048  }
0xb6: {  	_ =	sfence  }
0xb7: {  	s30 =	sld [smem:$0x0];
	_ =	sdelay $0x2  }
0xb8: {  	s31 =	sshll.u32 s1, $0xD;
	s1 =	sshrl.u32 s1, $0x2  }
0xb9: {  	s3 =	sand.u32 $0x4000, s31;
	s1 =	sadd.s32 s1, s30  }
0xba: {  	s0 =	sor.u32 s3, s0;
	s1 =	sshll.u32 s1, $0x11  }
0xbb: {  	s0 =	sor.u32 s1, s0  }
0xbc: {  	s0 =	sadd.s32 $0x8F2B, s0  }
0xbd: {  	[sflag:s0] =	ssyncadd.remote.s32 $0x1  }
0xbe: {  	_ =	sfence.sel $0xFFFF  }
0xbf: {  	[dreg:$0x0] =	wrdreg $0xFFFFFFFF;
	(pc) =	sbr.abs _section_cstart, $3  }
0xc0: {  	[dreg:$0x1] =	wrdreg $0xFFFFFFFF  }
0xc1: {  	_ =	task.clear_ibuf [dreg:s7], $0x2FFFF;
	_ =	strace $0x9FFFFFFF  }
0xc2: {  	(tm) =	ssettm $0x7FFFFFFF  }
0xc3: {  	_ =	shalt  }
tec
execute0_lowered:
.L_overlay_start_1:
0x0: {  	(tag) =	ssettag $0x1  }
0x1: {  	s1 =	srdreg.scid;
	s3 =	rddreg [dreg:$0x0]  }
0x2: {  	s0 =	stileid.u32;
	s6 =	rddreg [dreg:$0x1];
	s2 =	simm.s32 $0x0  }
0x3: {  	s10 =	simm.s32 $0x1;
	s11 =	simm.s32 $0x0;
	s4 =	sand.u32 $0x1, s1  }
0x4: {  	s30 =	sshll.u32 s0, $0x1;
	s1 =	rddreg [dreg:$0x2];
	s9 =	smul.u32 $0x3400, s0  }
0x5: {  	[smem:$0x7FF] =	sst s2;
	s5 =	sor.u32 s4, s30;
	s31 =	smul.u32 $0x1A00, s4  }
0x6: {  	_ =	strace $0x80000047;
	s7 =	ssub.s32 $0x2, s4;
	s5 =	smul.u32 $0xD00, s5  }
0x7: {  	s8 =	sshrl.u32 s7, $0x1;
	s6 =	sadd.s32 s9, s6;
	s9 =	simm.s32 $0xD00  }
0x8: {  	s7 =	ssub.s32 s7, s8;
	s6 =	sadd.s32 s31, s6;
	s5 =	sshrl.u32 s5, $0x3  }
0x9: {  	s8 =	simm.s32 $0x80;
	s5 =	sadd.s32 s5, s3;
	s3 =	sadd.s32 $0x3C00, s3  }
0xa: {  	s4 =	sadd.s32 $0x800, s5;
	s5 =	smax.u32 s7, $0x1;
	s7 =	simm.s32 $0x2  }
.LBB2_1:
0xb: {  	[tilespmem:s2], [sflag:$0x2] =	stream.linear.gather [hbm4b:s4+s2], $0xD00, $0x38;
	[tilespmem:$0x1500] =	vst v63  }
0xc: {  	_ =	swait.ge [sflag:s7], $0xD00  }
0xd: {  	[sflag:s7] =	ssyncset.done $0x0  }
0xe: {  	[sflag:s7] =	ssyncadd.s32 $0xFFFFF300  }
0xf: {  	[tilespmem:s9], [sflag:$0x1] =	stream.indirect.gather [hbm4b:s3+s8], $0x10, s2, s8, $0xb8;
	[tilespmem:$0x1500] =	vst v63  }
0x10: {  	_ =	swait.ge [sflag:s10], $0x800  }
0x11: {  	[sflag:s10] =	ssyncset.done $0x0  }
0x12: {  	s12 =	sadd.s32 $0x0, s6;
	[sflag:s10] =	ssyncadd.s32 $0xFFFFF800  }
0x13: {  	[hbm4b:s12+s2] =	stream.linear.scatter [tilespmem:s9], [sflag:$0x2], $0x800, $0x38;
	[tilespmem:$0x1500] =	vst v63  }
0x14: {  	_ =	swait.ge [sflag:s7], $0x800  }
0x15: {  	s13 =	simm.s32 $0x0;
	s12 =	simm.s32 $0x100;
	[sflag:s7] =	ssyncset.done $0x0  }
.LBB2_2:
0x16: {  	p0 =	sne.s32 s12, $0x1900;
	[sflag:s7] =	ssyncadd.s32 $0xFFFFF800;
	s13 =	sadd.s32 $0x80, s13  }
0x17: {  	[tilespmem:s9], [sflag:$0x1] =	stream.indirect.gather [hbm4b:s3+s8], $0x10, s13, s8, $0xb8;
	[tilespmem:$0x1500] =	vst v63  }
0x18: {  	s14 =	smov.u32 s12;
	s12 =	sadd.s32 $0x100, s12;
	_ =	swait.ge [sflag:s10], $0x800  }
.Ltmp0:
0x19: {  	[sflag:s10] =	ssyncset.done $0x0;
	(pc) =	sbr.rel @p0 .LBB2_2-.Ltmp0, $4  }
0x1a: {  	s14 =	sadd.s32 s14, s6;
	[sflag:s10] =	ssyncadd.s32 $0xFFFFF800  }
0x1b: {  	[hbm4b:s14+s2] =	stream.linear.scatter [tilespmem:s9], [sflag:$0x2], $0x800, $0x38;
	[tilespmem:$0x1500] =	vst v63  }
0x1c: {  	_ =	swait.ge [sflag:s7], $0x800  }
0x1d: {  	[sflag:s7] =	ssyncset.done $0x0  }
0x1e: {  	s11 =	sadd.s32 $0x1, s11  }
0x1f: {  	p0 =	sne.s32 s11, s5  }
.Ltmp1:
0x20: {  	_ = 	snop;
	(pc) =	sbr.rel @p0 .LBB2_1-.Ltmp1, $2  }
0x21: {  	_ =	sdelay $0x2  }
0x22: {  	[sflag:s7] =	ssyncadd.s32 $0xFFFFF800  }
0x23: {  	_ =	sfence.sel $0x180000  }
0x24: {  	[bflag:$0x0] =	sbarrier.arrive $0xFFFF  }
0x25: {  	p0 =	sne.s32 s0, $0x0;
	_ =	strace $0x90000047  }
0x26: {  	s0 =	sadd.s32 @!p0 $0x100000, s1;
	[bflag:$0x2] =	sbarrier.arrive $0xFFFF  }
0x27: {  	[sflag:s0] =	ssyncadd.tile.s32 @!p0 $0x1;
	_ =	shalt  }
.Lfunc_end2:
_tile_overlayer_lowered:
.L_overlay_start_2:
0x28: {  	(tag) =	ssettag $0x2  }
0x29: {  	s0 =	rddreg [dreg:$0x0];
	s2 =	stileid.u32  }
0x2a: {  	s1 =	rddreg [dreg:$0x1];
	p0 =	sne.s32 s2, $0x0  }
0x2b: {  	s3 =	rddreg [dreg:$0x2];
	[bflag:$0x3] =	sbarrier.arrive $0xFFFF;
	s2 =	simm.s32 @!p0 $0x1C02  }
0x2c: {  	[timem:s3], [sflag:s2] =	dma.local @!p0 [hbm:s0], s1  }
0x2d: {  	s0 =	simm.s32 @!p0 $0x2  }
0x2e: {  	_ =	swait.ge @!p0 [sflag:s0], s1  }
0x2f: {  	s1 =	ssub.s32 @!p0 $0x0, s1;
	[sflag:s0] =	ssyncset.done @!p0 $0x0  }
0x30: {  	[sflag:s0] =	ssyncadd.s32 @!p0 s1  }
0x31: {  	[bflag:$0x3] =	sbarrier.arrive $0xFFFF  }
0x32: {  	_ =	shalt  }

</sc_bundles>
